<compile_context>
chip_gen: v7x
topology: tpu7x:2x2x1
jax: 0.10.2.dev20260603
libtpu: 0.0.44.dev20260713+nightly
codegen_flags: <defaults>
</compile_context>

<pallas_src>
import functools

import jax
import jax.numpy as jnp
from jax import lax
from jax.experimental import pallas as pl
from jax.experimental.pallas import tpu as pltpu
from jax.experimental.pallas import tpu_sc as plsc

N = 10000
E = 320000
NG = 64
F_IN = 128
DW = 56
ONES_COL = 50

NC = 2
NS = 16
NW = NC * NS
CHUNK = 128
NCH = 80
EPT = NCH * CHUNK
EPAD = NW * EPT
PAD_NODE = 10000
AROWS = 10016
RPT = AROWS // NS
NPAD = 10240
DRPT = NPAD // NS

_MESH = plsc.VectorSubcoreMesh(core_axis_name="c", subcore_axis_name="s")
_F32 = jnp.float32
_CP = pltpu.CompilerParams(use_tc_tiling_on_sc=False)


@functools.partial(
    pl.kernel,
    mesh=_MESH,
    out_type=jax.ShapeDtypeStruct((NC * NPAD,), _F32),
    compiler_params=_CP,
    scratch_types=[
        pltpu.VMEM((NCH, CHUNK), jnp.int32),
        pltpu.VMEM((CHUNK,), _F32),
        pltpu.VMEM((DRPT,), _F32),
        pltpu.VMEM_SHARED((NPAD,), _F32),
    ],
)
def _deg_kernel(dst_hbm, ones_hbm, out_hbm, idx_v, ones_v, bounce_v, acc_sh):
    cid = lax.axis_index("c")
    sid = lax.axis_index("s")
    wid = cid * NS + sid
    pltpu.sync_copy(dst_hbm.at[wid], idx_v)
    pltpu.sync_copy(ones_hbm, ones_v)

    def zero_body(i, c):
        bounce_v[pl.ds(i * 16, 16)] = jnp.zeros((16,), _F32)
        return c

    lax.fori_loop(0, DRPT // 16, zero_body, 0)
    pltpu.sync_copy(bounce_v, acc_sh.at[pl.ds(sid * DRPT, DRPT)])
    plsc.subcore_barrier()

    def body(j, c):
        pltpu.sync_copy(ones_v, acc_sh.at[idx_v.at[j]], add=True)
        return c

    lax.fori_loop(0, NCH, body, 0)
    plsc.subcore_barrier()
    pltpu.sync_copy(acc_sh.at[pl.ds(sid * DRPT, DRPT)], bounce_v)
    pltpu.sync_copy(bounce_v, out_hbm.at[pl.ds(cid * NPAD + sid * DRPT, DRPT)])


@functools.partial(
    pl.kernel,
    mesh=_MESH,
    out_type=jax.ShapeDtypeStruct((NC, AROWS, DW), _F32),
    compiler_params=_CP,
    scratch_types=[
        pltpu.VMEM((NCH, CHUNK), jnp.int32),
        pltpu.VMEM((NCH, CHUNK), jnp.int32),
        pltpu.VMEM((CHUNK, DW), _F32),
        pltpu.VMEM((CHUNK, DW), _F32),
        pltpu.VMEM((RPT, DW), _F32),
        pltpu.VMEM_SHARED((AROWS, DW), _F32),
        pltpu.SemaphoreType.DMA,
        pltpu.SemaphoreType.DMA,
    ],
)
def _prop_kernel(src_hbm, dst_hbm, feat_hbm, out_hbm, src_v, dst_v, rows_a,
                 rows_b, bounce_v, acc_sh, sem_a, sem_b):
    cid = lax.axis_index("c")
    sid = lax.axis_index("s")
    wid = cid * NS + sid
    pltpu.sync_copy(src_hbm.at[wid], src_v)
    pltpu.sync_copy(dst_hbm.at[wid], dst_v)

    def zero_body(i, c):
        for off in (0, 16, 32, 40):
            bounce_v[i, pl.ds(off, 16)] = jnp.zeros((16,), _F32)
        return c

    lax.fori_loop(0, RPT, zero_body, 0)
    pltpu.sync_copy(bounce_v, acc_sh.at[pl.ds(sid * RPT, RPT)])
    plsc.subcore_barrier()

    pltpu.async_copy(feat_hbm.at[src_v.at[0]], rows_a, sem_a)

    def body(h, c):
        j = h * 2
        pltpu.make_async_copy(feat_hbm.at[src_v.at[j]], rows_a, sem_a).wait()
        pltpu.async_copy(feat_hbm.at[src_v.at[j + 1]], rows_b, sem_b)
        pltpu.sync_copy(rows_a, acc_sh.at[dst_v.at[j]], add=True)
        pltpu.make_async_copy(feat_hbm.at[src_v.at[j + 1]], rows_b,
                              sem_b).wait()

        @pl.when(h + 1 < NCH // 2)
        def _():
            pltpu.async_copy(feat_hbm.at[src_v.at[j + 2]], rows_a, sem_a)

        pltpu.sync_copy(rows_b, acc_sh.at[dst_v.at[j + 1]], add=True)
        return c

    lax.fori_loop(0, NCH // 2, body, 0)
    plsc.subcore_barrier()
    pltpu.sync_copy(acc_sh.at[pl.ds(sid * RPT, RPT)], bounce_v)
    pltpu.sync_copy(bounce_v, out_hbm.at[cid, pl.ds(sid * RPT, RPT)])


def _k2_body(x_ref, w1_ref, w2_ref, degp_ref, yt_ref, dinv_ref):
    w12 = jnp.dot(w1_ref[...], w2_ref[...], preferred_element_type=_F32)
    w12p = jnp.concatenate(
        [w12, jnp.zeros((F_IN, DW - w12.shape[1]), _F32)], axis=1)
    y = jnp.dot(x_ref[...], w12p, preferred_element_type=_F32)
    degp = degp_ref[...]
    deg = 1.0 + degp[:N] + degp[NPAD:NPAD + N]
    dinv = lax.rsqrt(deg).reshape(N, 1)
    cols = lax.broadcasted_iota(jnp.int32, (N, DW), 1)
    ones_chan = jnp.where(cols == ONES_COL, 1.0, 0.0)
    yt = dinv * (y + ones_chan)
    yt_ref[...] = jnp.concatenate(
        [yt, jnp.zeros((AROWS - N, DW), _F32)], axis=0)
    dinv_ref[...] = dinv


_k2_call = pl.pallas_call(
    _k2_body,
    out_shape=[
        jax.ShapeDtypeStruct((AROWS, DW), _F32),
        jax.ShapeDtypeStruct((N, 1), _F32),
    ],
)


def _k4_body(p_ref, yt_ref, dinv_ref, z_ref):
    dinv = dinv_ref[...]
    z = (dinv * dinv) * (p_ref[0, :N, :] + p_ref[1, :N, :] + yt_ref[:N, :])
    z_ref[...] = jnp.concatenate([z, jnp.zeros((AROWS - N, DW), _F32)], axis=0)


_k4_call = pl.pallas_call(
    _k4_body,
    out_shape=jax.ShapeDtypeStruct((AROWS, DW), _F32),
)


def _k6_body(q_ref, z1t_ref, dinv_ref, batch_ref, w2_ref, b1_ref, b2_ref,
             wf1_ref, bf1_ref, wf2_ref, bf2_ref, wf3_ref, bf3_ref, wo_ref,
             bo_ref, out_ref):
    dinv = dinv_ref[...]
    z1t = z1t_ref[:N, :]
    z2 = dinv * (q_ref[0, :N, :] + q_ref[1, :N, :] + z1t)
    r1 = z1t[:, ONES_COL:ONES_COL + 1] / dinv
    cols = lax.broadcasted_iota(jnp.int32, (N, DW), 1)
    m = jnp.where(cols == 51, r1, jnp.where(cols == 52, 1.0, z2))
    batch = batch_ref[...].reshape(N, 1)
    seg = lax.broadcasted_iota(jnp.int32, (N, NG), 1)
    onehot = (batch == seg).astype(_F32)
    g = lax.dot_general(onehot, m, (((0,), (0,)), ((), ())),
                        preferred_element_type=_F32)
    b1w2 = jnp.dot(b1_ref[...].reshape(1, -1), w2_ref[...],
                   preferred_element_type=_F32)
    pre = g[:, :50] + g[:, 51:52] * b1w2 \
        + g[:, 52:53] * b2_ref[...].reshape(1, -1)
    h = jnp.dot(pre, wf1_ref[...], preferred_element_type=_F32)
    h = h + bf1_ref[...].reshape(1, -1)
    h = jnp.dot(h, wf2_ref[...], preferred_element_type=_F32)
    h = h + bf2_ref[...].reshape(1, -1)
    h = jnp.dot(h, wf3_ref[...], preferred_element_type=_F32)
    h = h + bf3_ref[...].reshape(1, -1)
    out_ref[...] = jnp.dot(h, wo_ref[...], preferred_element_type=_F32) \
        + bo_ref[...].reshape(1, -1)


_k6_call = pl.pallas_call(
    _k6_body,
    out_shape=jax.ShapeDtypeStruct((NG, 1), _F32),
)


def kernel(x, edge_index, batch, n_test, n_pred, W1, b1, W2, b2, Wf1, bf1,
           Wf2, bf2, Wf3, bf3, Wo, bo):
    del n_test, n_pred
    pad = jnp.full((EPAD - E,), PAD_NODE, jnp.int32)
    src3 = jnp.concatenate([edge_index[0], pad]).reshape(NW, NCH, CHUNK)
    dst3 = jnp.concatenate([edge_index[1], pad]).reshape(NW, NCH, CHUNK)
    ones_chunk = jnp.ones((CHUNK,), _F32)
    degp = _deg_kernel(dst3, ones_chunk)
    yt, dinv = _k2_call(x, W1, W2, degp)
    p = _prop_kernel(src3, dst3, yt)
    z1t = _k4_call(p, yt, dinv)
    q = _prop_kernel(src3, dst3, z1t)
    return _k6_call(q, z1t, dinv, batch, W2, b1, b2, Wf1, bf1, Wf2, bf2,
                    Wf3, bf3, Wo, bo)

# --- scband reference (transcript-rebuilt; emitter-appended) ---
"""Pipeline reference for scband-edge-exists-predictor-35734127903067 (READ-ONLY COPY).

The authoritative reference and input builder live on the scoring server;
editing this copy changes nothing except your own understanding.
"""

import jax, jax.numpy as jnp
import numpy as np

N = 10000
E = 320000
F_IN = 128
NG = 64


def setup_inputs(seed: int = 0) -> dict:
    key = jax.random.key(seed)
    ks = jax.random.split(key, 20)
    x = jax.random.normal(ks[0], (N, F_IN), dtype=jnp.float32)
    edge_index = jax.random.randint(ks[1], (2, E), 0, N, dtype=jnp.int32)
    batch = jnp.sort(jax.random.randint(ks[2], (N,), 0, NG, dtype=jnp.int32))
    s = 0.05
    W1 = jax.random.normal(ks[3], (F_IN, 60), dtype=jnp.float32) * s
    b1 = jnp.zeros((60,), dtype=jnp.float32)
    W2 = jax.random.normal(ks[4], (60, 50), dtype=jnp.float32) * s
    b2 = jnp.zeros((50,), dtype=jnp.float32)
    Wf1 = jax.random.normal(ks[5], (50, 30), dtype=jnp.float32) * s
    bf1 = jnp.zeros((30,), dtype=jnp.float32)
    Wf2 = jax.random.normal(ks[6], (30, 20), dtype=jnp.float32) * s
    bf2 = jnp.zeros((20,), dtype=jnp.float32)
    Wf3 = jax.random.normal(ks[7], (20, 10), dtype=jnp.float32) * s
    bf3 = jnp.zeros((10,), dtype=jnp.float32)
    Wo = jax.random.normal(ks[8], (10, 1), dtype=jnp.float32) * s
    bo = jnp.zeros((1,), dtype=jnp.float32)
    return {"x": x, "edge_index": edge_index, "batch": batch, "n_test": 1, "n_pred": 1,
            "W1": W1, "b1": b1, "W2": W2, "b2": b2,
            "Wf1": Wf1, "bf1": bf1, "Wf2": Wf2, "bf2": bf2,
            "Wf3": Wf3, "bf3": bf3, "Wo": Wo, "bo": bo}


def gcn_conv(x, edge_index, W, b):
    n = x.shape[0]
    loop = jnp.arange(n, dtype=edge_index.dtype)
    src = jnp.concatenate([edge_index[0], loop])
    dst = jnp.concatenate([edge_index[1], loop])
    deg = jnp.zeros((n,), dtype=jnp.float32).at[dst].add(1.0)
    dinv = jnp.where(deg > 0, 1.0 / jnp.sqrt(deg), 0.0)
    norm = dinv[src] * dinv[dst]
    h = x @ W
    msg = h[src] * norm[:, None]
    out = jnp.zeros((n, W.shape[1]), dtype=jnp.float32).at[dst].add(msg)
    return out + b


def reference(x, edge_index, batch, n_test, n_pred, W1, b1, W2, b2, Wf1, bf1, Wf2, bf2, Wf3, bf3, Wo, bo):
    h = gcn_conv(x, edge_index, W1, b1)
    h = gcn_conv(h, edge_index, W2, b2)
    g = jax.ops.segment_sum(h, batch, num_segments=NG)
    g = g @ Wf1 + bf1
    g = g @ Wf2 + bf2
    g = g @ Wf3 + bf3
    g = g @ Wo + bo
    return g

if __name__ == "__main__":
    import jax
    _d = setup_inputs()
    print(jax.jit(kernel)(*tuple(_d.values())))

</pallas_src>

<mosaic_0001>
#map = affine_map<(d0, d1) -> (0, 0, 0)>
#map1 = affine_map<(d0, d1) -> (0)>
module attributes {stable_mosaic.version = 14 : i64} {
  func.func @_deg_kernel(%arg0: i32, %arg1: i32, %arg2: memref<32x80x128xi32, #tpu.memory_space<hbm>>, %arg3: memref<128xf32, #tpu.memory_space<hbm>>, %arg4: memref<20480xf32, #tpu.memory_space<hbm>>, %arg5: memref<80x128xi32, #tpu.memory_space<vmem>>, %arg6: memref<128xf32, #tpu.memory_space<vmem>>, %arg7: memref<640xf32, #tpu.memory_space<vmem>>, %arg8: memref<10240xf32, #tpu.memory_space<vmem_shared>>) attributes {dimension_semantics = [#tpu.dimension_semantics<core_parallel>, #tpu.dimension_semantics<subcore_parallel>], iteration_bounds = array<i64: 2, 16>, scalar_prefetch = 0 : i64, scratch_operands = 4 : i64, tpu.core_type = #tpu.core_type<sc_vector_subcore>, window_params = [{transform_indices = #map}, {transform_indices = #map1}, {transform_indices = #map1}]} {
    %mul3A = arith.constant 16 : i32
    %mul3A_0 = arith.muli %arg0, %mul3A : i32
    %add3A = arith.addi %mul3A_0, %arg1 : i32
    "tpu.region"() ({
      %run_scoped3A = tpu.sem_alloc : memref<!tpu.dma_semaphore, #tpu.memory_space<semaphore_mem>>
      %dma_start3A = arith.constant 0 : i32
      %dma_start3A_22 = arith.constant 0 : i32
      %dma_start3A_23 = tpu.memref_slice %arg2[%add3A, %dma_start3A, %dma_start3A_22] : memref<32x80x128xi32, #tpu.memory_space<hbm>> -> memref<1x80x128xi32, #tpu.memory_space<hbm>>
      %dma_start3A_24 = tpu.memref_squeeze %dma_start3A_23 : memref<1x80x128xi32, #tpu.memory_space<hbm>> -> memref<80x128xi32, #tpu.memory_space<hbm>>
      %dma_start3A_25 = arith.constant 0 : i32
      %dma_start3A_26 = arith.constant 0 : i32
      %dma_start3A_27 = tpu.memref_slice %arg2[%add3A, %dma_start3A_25, %dma_start3A_26] : memref<32x80x128xi32, #tpu.memory_space<hbm>> -> memref<1x80x128xi32, #tpu.memory_space<hbm>>
      %dma_start3A_28 = tpu.memref_squeeze %dma_start3A_27 : memref<1x80x128xi32, #tpu.memory_space<hbm>> -> memref<80x128xi32, #tpu.memory_space<hbm>>
      tpu.enqueue_dma source(%dma_start3A_28 : memref<80x128xi32, #tpu.memory_space<hbm>>) target(%arg5 : memref<80x128xi32, #tpu.memory_space<vmem>>) target_semaphore(%run_scoped3A : memref<!tpu.dma_semaphore, #tpu.memory_space<semaphore_mem>>)
      %dma_wait3A = arith.constant 0 : i32
      %dma_wait3A_29 = arith.constant 0 : i32
      %dma_wait3A_30 = tpu.memref_slice %arg2[%add3A, %dma_wait3A, %dma_wait3A_29] : memref<32x80x128xi32, #tpu.memory_space<hbm>> -> memref<1x80x128xi32, #tpu.memory_space<hbm>>
      %dma_wait3A_31 = tpu.memref_squeeze %dma_wait3A_30 : memref<1x80x128xi32, #tpu.memory_space<hbm>> -> memref<80x128xi32, #tpu.memory_space<hbm>>
      %dma_wait3A_32 = arith.constant 0 : i32
      %dma_wait3A_33 = arith.constant 0 : i32
      %dma_wait3A_34 = tpu.memref_slice %arg2[%add3A, %dma_wait3A_32, %dma_wait3A_33] : memref<32x80x128xi32, #tpu.memory_space<hbm>> -> memref<1x80x128xi32, #tpu.memory_space<hbm>>
      %dma_wait3A_35 = tpu.memref_squeeze %dma_wait3A_34 : memref<1x80x128xi32, #tpu.memory_space<hbm>> -> memref<80x128xi32, #tpu.memory_space<hbm>>
      tpu.wait_dma2 semaphore(%run_scoped3A : memref<!tpu.dma_semaphore, #tpu.memory_space<semaphore_mem>>) src(%dma_wait3A_35 : memref<80x128xi32, #tpu.memory_space<hbm>>) dst(%arg5 : memref<80x128xi32, #tpu.memory_space<vmem>>)
      tpu.yield
    }) : () -> ()
    "tpu.region"() ({
      %run_scoped3A = tpu.sem_alloc : memref<!tpu.dma_semaphore, #tpu.memory_space<semaphore_mem>>
      tpu.enqueue_dma source(%arg3 : memref<128xf32, #tpu.memory_space<hbm>>) target(%arg6 : memref<128xf32, #tpu.memory_space<vmem>>) target_semaphore(%run_scoped3A : memref<!tpu.dma_semaphore, #tpu.memory_space<semaphore_mem>>)
      tpu.wait_dma2 semaphore(%run_scoped3A : memref<!tpu.dma_semaphore, #tpu.memory_space<semaphore_mem>>) src(%arg3 : memref<128xf32, #tpu.memory_space<hbm>>) dst(%arg6 : memref<128xf32, #tpu.memory_space<vmem>>)
      tpu.yield
    }) : () -> ()
    %scan3A = arith.constant 0 : i32
    %scan3A_1 = arith.constant 0 : i32
    %scan3A_2 = arith.constant 40 : i32
    %scan3A_3 = arith.addi %scan3A_1, %scan3A_2 : i32
    %scan3A_4 = arith.constant 1 : i32
    scf.for %scan3A_22 = %scan3A_1 to %scan3A_3 step %scan3A_4  : i32 {
      %broadcast_in_dim3A = arith.constant 0.000000e+00 : f32
      %broadcast_in_dim3A_23 = vector.broadcast %broadcast_in_dim3A : f32 to vector<16xf32>
      %mul3A_24 = arith.constant 16 : i32
      %mul3A_25 = arith.muli %scan3A_22, %mul3A_24 : i32
      %swap3A = arith.index_cast %mul3A_25 : i32 to index
      %swap3A_26 = tpu.vector_load %arg7[%swap3A] {strides = array<i32>} : memref<640xf32, #tpu.memory_space<vmem>>, vector<16xf32>,
      %swap3A_27 = vector.shape_cast %swap3A_26 : vector<16xf32> to vector<16xf32>
      %swap3A_28 = vector.shape_cast %broadcast_in_dim3A_23 : vector<16xf32> to vector<16xf32>
      tpu.vector_store %arg7[%swap3A], %swap3A_28 {strides = array<i32>} : memref<640xf32, #tpu.memory_space<vmem>>, vector<16xf32>,
    }
    %scan3A_5 = arith.constant 40 : i32
    %mul3A_6 = arith.constant 640 : i32
    %mul3A_7 = arith.muli %arg1, %mul3A_6 : i32
    "tpu.region"() ({
      %run_scoped3A = tpu.sem_alloc : memref<!tpu.dma_semaphore, #tpu.memory_space<semaphore_mem>>
      %dma_start3A = tpu.memref_slice %arg8[%mul3A_7] : memref<10240xf32, #tpu.memory_space<vmem_shared>> -> memref<640xf32, #tpu.memory_space<vmem_shared>>
      %dma_start3A_22 = tpu.memref_slice %arg8[%mul3A_7] : memref<10240xf32, #tpu.memory_space<vmem_shared>> -> memref<640xf32, #tpu.memory_space<vmem_shared>>
      tpu.enqueue_dma source(%arg7 : memref<640xf32, #tpu.memory_space<vmem>>) target(%dma_start3A_22 : memref<640xf32, #tpu.memory_space<vmem_shared>>) target_semaphore(%run_scoped3A : memref<!tpu.dma_semaphore, #tpu.memory_space<semaphore_mem>>)
      %dma_wait3A = tpu.memref_slice %arg8[%mul3A_7] : memref<10240xf32, #tpu.memory_space<vmem_shared>> -> memref<640xf32, #tpu.memory_space<vmem_shared>>
      %dma_wait3A_23 = tpu.memref_slice %arg8[%mul3A_7] : memref<10240xf32, #tpu.memory_space<vmem_shared>> -> memref<640xf32, #tpu.memory_space<vmem_shared>>
      tpu.wait_dma2 semaphore(%run_scoped3A : memref<!tpu.dma_semaphore, #tpu.memory_space<semaphore_mem>>) src(%arg7 : memref<640xf32, #tpu.memory_space<vmem>>) dst(%dma_wait3A_23 : memref<640xf32, #tpu.memory_space<vmem_shared>>)
      tpu.yield
    }) : () -> ()
    %barrier3A = arith.constant 0 : index
    tpu.barrier barrier_id(%barrier3A)
    %scan3A_8 = arith.constant 0 : i32
    %scan3A_9 = arith.constant 0 : i32
    %scan3A_10 = arith.constant 80 : i32
    %scan3A_11 = arith.addi %scan3A_9, %scan3A_10 : i32
    %scan3A_12 = arith.constant 1 : i32
    scf.for %scan3A_22 = %scan3A_9 to %scan3A_11 step %scan3A_12  : i32 {
      "tpu.region"() ({
        %run_scoped3A = tpu.sem_alloc : memref<!tpu.dma_semaphore, #tpu.memory_space<semaphore_mem>>
        %dma_start3A = arith.constant 0 : i32
        %dma_start3A_23 = tpu.memref_slice %arg5[%scan3A_22, %dma_start3A] : memref<80x128xi32, #tpu.memory_space<vmem>> -> memref<1x128xi32, #tpu.memory_space<vmem>>
        %dma_start3A_24 = tpu.memref_squeeze %dma_start3A_23 : memref<1x128xi32, #tpu.memory_space<vmem>> -> memref<128xi32, #tpu.memory_space<vmem>>
        %dma_start3A_25 = arith.constant 0 : i32
        %dma_start3A_26 = tpu.memref_slice %arg8[%dma_start3A_25] : memref<10240xf32, #tpu.memory_space<vmem_shared>> -> memref<10240xf32, #tpu.memory_space<vmem_shared>>
        tpu.enqueue_indirect_dma source(%arg6 : memref<128xf32, #tpu.memory_space<vmem>>) target(%dma_start3A_26 : memref<10240xf32, #tpu.memory_space<vmem_shared>>) offsets(%dma_start3A_24 : memref<128xi32, #tpu.memory_space<vmem>>) semaphore(%run_scoped3A : memref<!tpu.dma_semaphore, #tpu.memory_space<semaphore_mem>>) {add = true}
        %dma_wait3A = arith.constant 0 : i32
        %dma_wait3A_27 = tpu.memref_slice %arg5[%scan3A_22, %dma_wait3A] : memref<80x128xi32, #tpu.memory_space<vmem>> -> memref<1x128xi32, #tpu.memory_space<vmem>>
        %dma_wait3A_28 = tpu.memref_squeeze %dma_wait3A_27 : memref<1x128xi32, #tpu.memory_space<vmem>> -> memref<128xi32, #tpu.memory_space<vmem>>
        %dma_wait3A_29 = arith.constant 0 : i32
        %dma_wait3A_30 = tpu.memref_slice %arg8[%dma_wait3A_29] : memref<10240xf32, #tpu.memory_space<vmem_shared>> -> memref<10240xf32, #tpu.memory_space<vmem_shared>>
        tpu.wait_indirect_dma semaphore(%run_scoped3A : memref<!tpu.dma_semaphore, #tpu.memory_space<semaphore_mem>>) src(%arg6 : memref<128xf32, #tpu.memory_space<vmem>>) dst(%dma_wait3A_30 : memref<10240xf32, #tpu.memory_space<vmem_shared>>)
        tpu.yield
      }) : () -> ()
    }
    %scan3A_13 = arith.constant 80 : i32
    %barrier3A_14 = arith.constant 0 : index
    tpu.barrier barrier_id(%barrier3A_14)
    %mul3A_15 = arith.constant 640 : i32
    %mul3A_16 = arith.muli %arg1, %mul3A_15 : i32
    "tpu.region"() ({
      %run_scoped3A = tpu.sem_alloc : memref<!tpu.dma_semaphore, #tpu.memory_space<semaphore_mem>>
      %dma_start3A = tpu.memref_slice %arg8[%mul3A_16] : memref<10240xf32, #tpu.memory_space<vmem_shared>> -> memref<640xf32, #tpu.memory_space<vmem_shared>>
      %dma_start3A_22 = tpu.memref_slice %arg8[%mul3A_16] : memref<10240xf32, #tpu.memory_space<vmem_shared>> -> memref<640xf32, #tpu.memory_space<vmem_shared>>
      tpu.enqueue_dma source(%dma_start3A_22 : memref<640xf32, #tpu.memory_space<vmem_shared>>) target(%arg7 : memref<640xf32, #tpu.memory_space<vmem>>) target_semaphore(%run_scoped3A : memref<!tpu.dma_semaphore, #tpu.memory_space<semaphore_mem>>)
      %dma_wait3A = tpu.memref_slice %arg8[%mul3A_16] : memref<10240xf32, #tpu.memory_space<vmem_shared>> -> memref<640xf32, #tpu.memory_space<vmem_shared>>
      %dma_wait3A_23 = tpu.memref_slice %arg8[%mul3A_16] : memref<10240xf32, #tpu.memory_space<vmem_shared>> -> memref<640xf32, #tpu.memory_space<vmem_shared>>
      tpu.wait_dma2 semaphore(%run_scoped3A : memref<!tpu.dma_semaphore, #tpu.memory_space<semaphore_mem>>) src(%dma_wait3A_23 : memref<640xf32, #tpu.memory_space<vmem_shared>>) dst(%arg7 : memref<640xf32, #tpu.memory_space<vmem>>)
      tpu.yield
    }) : () -> ()
    %mul3A_17 = arith.constant 10240 : i32
    %mul3A_18 = arith.muli %arg0, %mul3A_17 : i32
    %mul3A_19 = arith.constant 640 : i32
    %mul3A_20 = arith.muli %arg1, %mul3A_19 : i32
    %add3A_21 = arith.addi %mul3A_18, %mul3A_20 : i32
    "tpu.region"() ({
      %run_scoped3A = tpu.sem_alloc : memref<!tpu.dma_semaphore, #tpu.memory_space<semaphore_mem>>
      %dma_start3A = tpu.memref_slice %arg4[%add3A_21] : memref<20480xf32, #tpu.memory_space<hbm>> -> memref<640xf32, #tpu.memory_space<hbm>>
      %dma_start3A_22 = tpu.memref_slice %arg4[%add3A_21] : memref<20480xf32, #tpu.memory_space<hbm>> -> memref<640xf32, #tpu.memory_space<hbm>>
      tpu.enqueue_dma source(%arg7 : memref<640xf32, #tpu.memory_space<vmem>>) target(%dma_start3A_22 : memref<640xf32, #tpu.memory_space<hbm>>) target_semaphore(%run_scoped3A : memref<!tpu.dma_semaphore, #tpu.memory_space<semaphore_mem>>)
      %dma_wait3A = tpu.memref_slice %arg4[%add3A_21] : memref<20480xf32, #tpu.memory_space<hbm>> -> memref<640xf32, #tpu.memory_space<hbm>>
      %dma_wait3A_23 = tpu.memref_slice %arg4[%add3A_21] : memref<20480xf32, #tpu.memory_space<hbm>> -> memref<640xf32, #tpu.memory_space<hbm>>
      tpu.wait_dma2 semaphore(%run_scoped3A : memref<!tpu.dma_semaphore, #tpu.memory_space<semaphore_mem>>) src(%arg7 : memref<640xf32, #tpu.memory_space<vmem>>) dst(%dma_wait3A_23 : memref<640xf32, #tpu.memory_space<hbm>>)
      tpu.yield
    }) : () -> ()
    return
  }
}

#map = affine_map<(d0, d1) -> (0, 0, 0)>
#map1 = affine_map<(d0, d1) -> (0, 0)>
module attributes {stable_mosaic.version = 14 : i64} {
  func.func @_prop_kernel(%arg0: i32, %arg1: i32, %arg2: memref<32x80x128xi32, #tpu.memory_space<hbm>>, %arg3: memref<32x80x128xi32, #tpu.memory_space<hbm>>, %arg4: memref<10016x56xf32, #tpu.memory_space<hbm>>, %arg5: memref<2x10016x56xf32, #tpu.memory_space<hbm>>, %arg6: memref<80x128xi32, #tpu.memory_space<vmem>>, %arg7: memref<80x128xi32, #tpu.memory_space<vmem>>, %arg8: memref<128x56xf32, #tpu.memory_space<vmem>>, %arg9: memref<128x56xf32, #tpu.memory_space<vmem>>, %arg10: memref<626x56xf32, #tpu.memory_space<vmem>>, %arg11: memref<10016x56xf32, #tpu.memory_space<vmem_shared>>, %arg12: memref<!tpu.dma_semaphore, #tpu.memory_space<semaphore_mem>>, %arg13: memref<!tpu.dma_semaphore, #tpu.memory_space<semaphore_mem>>) attributes {dimension_semantics = [#tpu.dimension_semantics<core_parallel>, #tpu.dimension_semantics<subcore_parallel>], iteration_bounds = array<i64: 2, 16>, scalar_prefetch = 0 : i64, scratch_operands = 8 : i64, tpu.core_type = #tpu.core_type<sc_vector_subcore>, window_params = [{transform_indices = #map}, {transform_indices = #map}, {transform_indices = #map1}, {transform_indices = #map}]} {
    %mul3A = arith.constant 16 : i32
    %mul3A_0 = arith.muli %arg0, %mul3A : i32
    %add3A = arith.addi %mul3A_0, %arg1 : i32
    "tpu.region"() ({
      %run_scoped3A = tpu.sem_alloc : memref<!tpu.dma_semaphore, #tpu.memory_space<semaphore_mem>>
      %dma_start3A_25 = arith.constant 0 : i32
      %dma_start3A_26 = arith.constant 0 : i32
      %dma_start3A_27 = tpu.memref_slice %arg2[%add3A, %dma_start3A_25, %dma_start3A_26] : memref<32x80x128xi32, #tpu.memory_space<hbm>> -> memref<1x80x128xi32, #tpu.memory_space<hbm>>
      %dma_start3A_28 = tpu.memref_squeeze %dma_start3A_27 : memref<1x80x128xi32, #tpu.memory_space<hbm>> -> memref<80x128xi32, #tpu.memory_space<hbm>>
      %dma_start3A_29 = arith.constant 0 : i32
      %dma_start3A_30 = arith.constant 0 : i32
      %dma_start3A_31 = tpu.memref_slice %arg2[%add3A, %dma_start3A_29, %dma_start3A_30] : memref<32x80x128xi32, #tpu.memory_space<hbm>> -> memref<1x80x128xi32, #tpu.memory_space<hbm>>
      %dma_start3A_32 = tpu.memref_squeeze %dma_start3A_31 : memref<1x80x128xi32, #tpu.memory_space<hbm>> -> memref<80x128xi32, #tpu.memory_space<hbm>>
      tpu.enqueue_dma source(%dma_start3A_32 : memref<80x128xi32, #tpu.memory_space<hbm>>) target(%arg6 : memref<80x128xi32, #tpu.memory_space<vmem>>) target_semaphore(%run_scoped3A : memref<!tpu.dma_semaphore, #tpu.memory_space<semaphore_mem>>)
      %dma_wait3A = arith.constant 0 : i32
      %dma_wait3A_33 = arith.constant 0 : i32
      %dma_wait3A_34 = tpu.memref_slice %arg2[%add3A, %dma_wait3A, %dma_wait3A_33] : memref<32x80x128xi32, #tpu.memory_space<hbm>> -> memref<1x80x128xi32, #tpu.memory_space<hbm>>
      %dma_wait3A_35 = tpu.memref_squeeze %dma_wait3A_34 : memref<1x80x128xi32, #tpu.memory_space<hbm>> -> memref<80x128xi32, #tpu.memory_space<hbm>>
      %dma_wait3A_36 = arith.constant 0 : i32
      %dma_wait3A_37 = arith.constant 0 : i32
      %dma_wait3A_38 = tpu.memref_slice %arg2[%add3A, %dma_wait3A_36, %dma_wait3A_37] : memref<32x80x128xi32, #tpu.memory_space<hbm>> -> memref<1x80x128xi32, #tpu.memory_space<hbm>>
      %dma_wait3A_39 = tpu.memref_squeeze %dma_wait3A_38 : memref<1x80x128xi32, #tpu.memory_space<hbm>> -> memref<80x128xi32, #tpu.memory_space<hbm>>
      tpu.wait_dma2 semaphore(%run_scoped3A : memref<!tpu.dma_semaphore, #tpu.memory_space<semaphore_mem>>) src(%dma_wait3A_39 : memref<80x128xi32, #tpu.memory_space<hbm>>) dst(%arg6 : memref<80x128xi32, #tpu.memory_space<vmem>>)
      tpu.yield
    }) : () -> ()
    "tpu.region"() ({
      %run_scoped3A = tpu.sem_alloc : memref<!tpu.dma_semaphore, #tpu.memory_space<semaphore_mem>>
      %dma_start3A_25 = arith.constant 0 : i32
      %dma_start3A_26 = arith.constant 0 : i32
      %dma_start3A_27 = tpu.memref_slice %arg3[%add3A, %dma_start3A_25, %dma_start3A_26] : memref<32x80x128xi32, #tpu.memory_space<hbm>> -> memref<1x80x128xi32, #tpu.memory_space<hbm>>
      %dma_start3A_28 = tpu.memref_squeeze %dma_start3A_27 : memref<1x80x128xi32, #tpu.memory_space<hbm>> -> memref<80x128xi32, #tpu.memory_space<hbm>>
      %dma_start3A_29 = arith.constant 0 : i32
      %dma_start3A_30 = arith.constant 0 : i32
      %dma_start3A_31 = tpu.memref_slice %arg3[%add3A, %dma_start3A_29, %dma_start3A_30] : memref<32x80x128xi32, #tpu.memory_space<hbm>> -> memref<1x80x128xi32, #tpu.memory_space<hbm>>
      %dma_start3A_32 = tpu.memref_squeeze %dma_start3A_31 : memref<1x80x128xi32, #tpu.memory_space<hbm>> -> memref<80x128xi32, #tpu.memory_space<hbm>>
      tpu.enqueue_dma source(%dma_start3A_32 : memref<80x128xi32, #tpu.memory_space<hbm>>) target(%arg7 : memref<80x128xi32, #tpu.memory_space<vmem>>) target_semaphore(%run_scoped3A : memref<!tpu.dma_semaphore, #tpu.memory_space<semaphore_mem>>)
      %dma_wait3A = arith.constant 0 : i32
      %dma_wait3A_33 = arith.constant 0 : i32
      %dma_wait3A_34 = tpu.memref_slice %arg3[%add3A, %dma_wait3A, %dma_wait3A_33] : memref<32x80x128xi32, #tpu.memory_space<hbm>> -> memref<1x80x128xi32, #tpu.memory_space<hbm>>
      %dma_wait3A_35 = tpu.memref_squeeze %dma_wait3A_34 : memref<1x80x128xi32, #tpu.memory_space<hbm>> -> memref<80x128xi32, #tpu.memory_space<hbm>>
      %dma_wait3A_36 = arith.constant 0 : i32
      %dma_wait3A_37 = arith.constant 0 : i32
      %dma_wait3A_38 = tpu.memref_slice %arg3[%add3A, %dma_wait3A_36, %dma_wait3A_37] : memref<32x80x128xi32, #tpu.memory_space<hbm>> -> memref<1x80x128xi32, #tpu.memory_space<hbm>>
      %dma_wait3A_39 = tpu.memref_squeeze %dma_wait3A_38 : memref<1x80x128xi32, #tpu.memory_space<hbm>> -> memref<80x128xi32, #tpu.memory_space<hbm>>
      tpu.wait_dma2 semaphore(%run_scoped3A : memref<!tpu.dma_semaphore, #tpu.memory_space<semaphore_mem>>) src(%dma_wait3A_39 : memref<80x128xi32, #tpu.memory_space<hbm>>) dst(%arg7 : memref<80x128xi32, #tpu.memory_space<vmem>>)
      tpu.yield
    }) : () -> ()
    %scan3A = arith.constant 0 : i32
    %scan3A_1 = arith.constant 0 : i32
    %scan3A_2 = arith.constant 626 : i32
    %scan3A_3 = arith.addi %scan3A_1, %scan3A_2 : i32
    %scan3A_4 = arith.constant 1 : i32
    scf.for %scan3A_25 = %scan3A_1 to %scan3A_3 step %scan3A_4  : i32 {
      %broadcast_in_dim3A = arith.constant 0.000000e+00 : f32
      %broadcast_in_dim3A_26 = vector.broadcast %broadcast_in_dim3A : f32 to vector<16xf32>
      %swap3A = arith.index_cast %scan3A_25 : i32 to index
      %swap3A_27 = arith.constant 0 : index
      %swap3A_28 = tpu.vector_load %arg10[%swap3A, %swap3A_27] {strides = array<i32>} : memref<626x56xf32, #tpu.memory_space<vmem>>, vector<1x16xf32>,
      %swap3A_29 = vector.shape_cast %swap3A_28 : vector<1x16xf32> to vector<16xf32>
      %swap3A_30 = vector.shape_cast %broadcast_in_dim3A_26 : vector<16xf32> to vector<1x16xf32>
      tpu.vector_store %arg10[%swap3A, %swap3A_27], %swap3A_30 {strides = array<i32>} : memref<626x56xf32, #tpu.memory_space<vmem>>, vector<1x16xf32>,
      %broadcast_in_dim3A_31 = arith.constant 0.000000e+00 : f32
      %broadcast_in_dim3A_32 = vector.broadcast %broadcast_in_dim3A_31 : f32 to vector<16xf32>
      %swap3A_33 = arith.index_cast %scan3A_25 : i32 to index
      %swap3A_34 = arith.constant 16 : index
      %swap3A_35 = tpu.vector_load %arg10[%swap3A_33, %swap3A_34] {strides = array<i32>} : memref<626x56xf32, #tpu.memory_space<vmem>>, vector<1x16xf32>,
      %swap3A_36 = vector.shape_cast %swap3A_35 : vector<1x16xf32> to vector<16xf32>
      %swap3A_37 = vector.shape_cast %broadcast_in_dim3A_32 : vector<16xf32> to vector<1x16xf32>
      tpu.vector_store %arg10[%swap3A_33, %swap3A_34], %swap3A_37 {strides = array<i32>} : memref<626x56xf32, #tpu.memory_space<vmem>>, vector<1x16xf32>,
      %broadcast_in_dim3A_38 = arith.constant 0.000000e+00 : f32
      %broadcast_in_dim3A_39 = vector.broadcast %broadcast_in_dim3A_38 : f32 to vector<16xf32>
      %swap3A_40 = arith.index_cast %scan3A_25 : i32 to index
      %swap3A_41 = arith.constant 32 : index
      %swap3A_42 = tpu.vector_load %arg10[%swap3A_40, %swap3A_41] {strides = array<i32>} : memref<626x56xf32, #tpu.memory_space<vmem>>, vector<1x16xf32>,
      %swap3A_43 = vector.shape_cast %swap3A_42 : vector<1x16xf32> to vector<16xf32>
      %swap3A_44 = vector.shape_cast %broadcast_in_dim3A_39 : vector<16xf32> to vector<1x16xf32>
      tpu.vector_store %arg10[%swap3A_40, %swap3A_41], %swap3A_44 {strides = array<i32>} : memref<626x56xf32, #tpu.memory_space<vmem>>, vector<1x16xf32>,
      %broadcast_in_dim3A_45 = arith.constant 0.000000e+00 : f32
      %broadcast_in_dim3A_46 = vector.broadcast %broadcast_in_dim3A_45 : f32 to vector<16xf32>
      %swap3A_47 = arith.index_cast %scan3A_25 : i32 to index
      %swap3A_48 = arith.constant 40 : index
      %swap3A_49 = tpu.vector_load %arg10[%swap3A_47, %swap3A_48] {strides = array<i32>} : memref<626x56xf32, #tpu.memory_space<vmem>>, vector<1x16xf32>,
      %swap3A_50 = vector.shape_cast %swap3A_49 : vector<1x16xf32> to vector<16xf32>
      %swap3A_51 = vector.shape_cast %broadcast_in_dim3A_46 : vector<16xf32> to vector<1x16xf32>
      tpu.vector_store %arg10[%swap3A_47, %swap3A_48], %swap3A_51 {strides = array<i32>} : memref<626x56xf32, #tpu.memory_space<vmem>>, vector<1x16xf32>,
    }
    %scan3A_5 = arith.constant 626 : i32
    %mul3A_6 = arith.constant 626 : i32
    %mul3A_7 = arith.muli %arg1, %mul3A_6 : i32
    "tpu.region"() ({
      %run_scoped3A = tpu.sem_alloc : memref<!tpu.dma_semaphore, #tpu.memory_space<semaphore_mem>>
      %dma_start3A_25 = arith.constant 0 : i32
      %dma_start3A_26 = tpu.memref_slice %arg11[%mul3A_7, %dma_start3A_25] : memref<10016x56xf32, #tpu.memory_space<vmem_shared>> -> memref<626x56xf32, #tpu.memory_space<vmem_shared>>
      %dma_start3A_27 = arith.constant 0 : i32
      %dma_start3A_28 = tpu.memref_slice %arg11[%mul3A_7, %dma_start3A_27] : memref<10016x56xf32, #tpu.memory_space<vmem_shared>> -> memref<626x56xf32, #tpu.memory_space<vmem_shared>>
      tpu.enqueue_dma source(%arg10 : memref<626x56xf32, #tpu.memory_space<vmem>>) target(%dma_start3A_28 : memref<626x56xf32, #tpu.memory_space<vmem_shared>>) target_semaphore(%run_scoped3A : memref<!tpu.dma_semaphore, #tpu.memory_space<semaphore_mem>>)
      %dma_wait3A = arith.constant 0 : i32
      %dma_wait3A_29 = tpu.memref_slice %arg11[%mul3A_7, %dma_wait3A] : memref<10016x56xf32, #tpu.memory_space<vmem_shared>> -> memref<626x56xf32, #tpu.memory_space<vmem_shared>>
      %dma_wait3A_30 = arith.constant 0 : i32
      %dma_wait3A_31 = tpu.memref_slice %arg11[%mul3A_7, %dma_wait3A_30] : memref<10016x56xf32, #tpu.memory_space<vmem_shared>> -> memref<626x56xf32, #tpu.memory_space<vmem_shared>>
      tpu.wait_dma2 semaphore(%run_scoped3A : memref<!tpu.dma_semaphore, #tpu.memory_space<semaphore_mem>>) src(%arg10 : memref<626x56xf32, #tpu.memory_space<vmem>>) dst(%dma_wait3A_31 : memref<626x56xf32, #tpu.memory_space<vmem_shared>>)
      tpu.yield
    }) : () -> ()
    %barrier3A = arith.constant 0 : index
    tpu.barrier barrier_id(%barrier3A)
    %dma_start3A = arith.constant 0 : i32
    %dma_start3A_8 = arith.constant 0 : i32
    %dma_start3A_9 = tpu.memref_slice %arg6[%dma_start3A, %dma_start3A_8] : memref<80x128xi32, #tpu.memory_space<vmem>> -> memref<1x128xi32, #tpu.memory_space<vmem>>
    %dma_start3A_10 = tpu.memref_squeeze %dma_start3A_9 : memref<1x128xi32, #tpu.memory_space<vmem>> -> memref<128xi32, #tpu.memory_space<vmem>>
    %dma_start3A_11 = arith.constant 0 : i32
    %dma_start3A_12 = arith.constant 0 : i32
    %dma_start3A_13 = tpu.memref_slice %arg4[%dma_start3A_11, %dma_start3A_12] : memref<10016x56xf32, #tpu.memory_space<hbm>> -> memref<10016x56xf32, #tpu.memory_space<hbm>>
    tpu.enqueue_indirect_dma source(%dma_start3A_13 : memref<10016x56xf32, #tpu.memory_space<hbm>>) target(%arg8 : memref<128x56xf32, #tpu.memory_space<vmem>>) offsets(%dma_start3A_10 : memref<128xi32, #tpu.memory_space<vmem>>) semaphore(%arg12 : memref<!tpu.dma_semaphore, #tpu.memory_space<semaphore_mem>>)
    %scan3A_14 = arith.constant 0 : i32
    %scan3A_15 = arith.constant 0 : i32
    %scan3A_16 = arith.constant 40 : i32
    %scan3A_17 = arith.addi %scan3A_15, %scan3A_16 : i32
    %scan3A_18 = arith.constant 1 : i32
    scf.for %scan3A_25 = %scan3A_15 to %scan3A_17 step %scan3A_18  : i32 {
      %mul3A_26 = arith.constant 2 : i32
      %mul3A_27 = arith.muli %scan3A_25, %mul3A_26 : i32
      %dma_wait3A = arith.constant 0 : i32
      %dma_wait3A_28 = tpu.memref_slice %arg6[%mul3A_27, %dma_wait3A] : memref<80x128xi32, #tpu.memory_space<vmem>> -> memref<1x128xi32, #tpu.memory_space<vmem>>
      %dma_wait3A_29 = tpu.memref_squeeze %dma_wait3A_28 : memref<1x128xi32, #tpu.memory_space<vmem>> -> memref<128xi32, #tpu.memory_space<vmem>>
      %dma_wait3A_30 = arith.constant 0 : i32
      %dma_wait3A_31 = arith.constant 0 : i32
      %dma_wait3A_32 = tpu.memref_slice %arg4[%dma_wait3A_30, %dma_wait3A_31] : memref<10016x56xf32, #tpu.memory_space<hbm>> -> memref<10016x56xf32, #tpu.memory_space<hbm>>
      tpu.wait_indirect_dma semaphore(%arg12 : memref<!tpu.dma_semaphore, #tpu.memory_space<semaphore_mem>>) src(%dma_wait3A_32 : memref<10016x56xf32, #tpu.memory_space<hbm>>) dst(%arg8 : memref<128x56xf32, #tpu.memory_space<vmem>>)
      %add3A_33 = arith.constant 1 : i32
      %add3A_34 = arith.addi %mul3A_27, %add3A_33 : i32
      %dma_start3A_35 = arith.constant 0 : i32
      %dma_start3A_36 = tpu.memref_slice %arg6[%add3A_34, %dma_start3A_35] : memref<80x128xi32, #tpu.memory_space<vmem>> -> memref<1x128xi32, #tpu.memory_space<vmem>>
      %dma_start3A_37 = tpu.memref_squeeze %dma_start3A_36 : memref<1x128xi32, #tpu.memory_space<vmem>> -> memref<128xi32, #tpu.memory_space<vmem>>
      %dma_start3A_38 = arith.constant 0 : i32
      %dma_start3A_39 = arith.constant 0 : i32
      %dma_start3A_40 = tpu.memref_slice %arg4[%dma_start3A_38, %dma_start3A_39] : memref<10016x56xf32, #tpu.memory_space<hbm>> -> memref<10016x56xf32, #tpu.memory_space<hbm>>
      tpu.enqueue_indirect_dma source(%dma_start3A_40 : memref<10016x56xf32, #tpu.memory_space<hbm>>) target(%arg9 : memref<128x56xf32, #tpu.memory_space<vmem>>) offsets(%dma_start3A_37 : memref<128xi32, #tpu.memory_space<vmem>>) semaphore(%arg13 : memref<!tpu.dma_semaphore, #tpu.memory_space<semaphore_mem>>)
      "tpu.region"() ({
        %run_scoped3A = tpu.sem_alloc : memref<!tpu.dma_semaphore, #tpu.memory_space<semaphore_mem>>
        %dma_start3A_55 = arith.constant 0 : i32
        %dma_start3A_56 = tpu.memref_slice %arg7[%mul3A_27, %dma_start3A_55] : memref<80x128xi32, #tpu.memory_space<vmem>> -> memref<1x128xi32, #tpu.memory_space<vmem>>
        %dma_start3A_57 = tpu.memref_squeeze %dma_start3A_56 : memref<1x128xi32, #tpu.memory_space<vmem>> -> memref<128xi32, #tpu.memory_space<vmem>>
        %dma_start3A_58 = arith.constant 0 : i32
        %dma_start3A_59 = arith.constant 0 : i32
        %dma_start3A_60 = tpu.memref_slice %arg11[%dma_start3A_58, %dma_start3A_59] : memref<10016x56xf32, #tpu.memory_space<vmem_shared>> -> memref<10016x56xf32, #tpu.memory_space<vmem_shared>>
        tpu.enqueue_indirect_dma source(%arg8 : memref<128x56xf32, #tpu.memory_space<vmem>>) target(%dma_start3A_60 : memref<10016x56xf32, #tpu.memory_space<vmem_shared>>) offsets(%dma_start3A_57 : memref<128xi32, #tpu.memory_space<vmem>>) semaphore(%run_scoped3A : memref<!tpu.dma_semaphore, #tpu.memory_space<semaphore_mem>>) {add = true}
        %dma_wait3A_61 = arith.constant 0 : i32
        %dma_wait3A_62 = tpu.memref_slice %arg7[%mul3A_27, %dma_wait3A_61] : memref<80x128xi32, #tpu.memory_space<vmem>> -> memref<1x128xi32, #tpu.memory_space<vmem>>
        %dma_wait3A_63 = tpu.memref_squeeze %dma_wait3A_62 : memref<1x128xi32, #tpu.memory_space<vmem>> -> memref<128xi32, #tpu.memory_space<vmem>>
        %dma_wait3A_64 = arith.constant 0 : i32
        %dma_wait3A_65 = arith.constant 0 : i32
        %dma_wait3A_66 = tpu.memref_slice %arg11[%dma_wait3A_64, %dma_wait3A_65] : memref<10016x56xf32, #tpu.memory_space<vmem_shared>> -> memref<10016x56xf32, #tpu.memory_space<vmem_shared>>
        tpu.wait_indirect_dma semaphore(%run_scoped3A : memref<!tpu.dma_semaphore, #tpu.memory_space<semaphore_mem>>) src(%arg8 : memref<128x56xf32, #tpu.memory_space<vmem>>) dst(%dma_wait3A_66 : memref<10016x56xf32, #tpu.memory_space<vmem_shared>>)
        tpu.yield
      }) : () -> ()
      %add3A_41 = arith.constant 1 : i32
      %add3A_42 = arith.addi %mul3A_27, %add3A_41 : i32
      %dma_wait3A_43 = arith.constant 0 : i32
      %dma_wait3A_44 = tpu.memref_slice %arg6[%add3A_42, %dma_wait3A_43] : memref<80x128xi32, #tpu.memory_space<vmem>> -> memref<1x128xi32, #tpu.memory_space<vmem>>
      %dma_wait3A_45 = tpu.memref_squeeze %dma_wait3A_44 : memref<1x128xi32, #tpu.memory_space<vmem>> -> memref<128xi32, #tpu.memory_space<vmem>>
      %dma_wait3A_46 = arith.constant 0 : i32
      %dma_wait3A_47 = arith.constant 0 : i32
      %dma_wait3A_48 = tpu.memref_slice %arg4[%dma_wait3A_46, %dma_wait3A_47] : memref<10016x56xf32, #tpu.memory_space<hbm>> -> memref<10016x56xf32, #tpu.memory_space<hbm>>
      tpu.wait_indirect_dma semaphore(%arg13 : memref<!tpu.dma_semaphore, #tpu.memory_space<semaphore_mem>>) src(%dma_wait3A_48 : memref<10016x56xf32, #tpu.memory_space<hbm>>) dst(%arg9 : memref<128x56xf32, #tpu.memory_space<vmem>>)
      %add3A_49 = arith.constant 1 : i32
      %add3A_50 = arith.addi %scan3A_25, %add3A_49 : i32
      %lt3A = arith.constant 40 : i32
      %lt3A_51 = arith.cmpi slt, %add3A_50, %lt3A : i32
      %convert_element_type3A = arith.extui %lt3A_51 : i1 to i32
      %cond3A = arith.constant 0 : i32
      %cond3A_52 = arith.cmpi ne, %convert_element_type3A, %cond3A : i32
      scf.if %cond3A_52 {
        %add3A_55 = arith.constant 2 : i32
        %add3A_56 = arith.addi %mul3A_27, %add3A_55 : i32
        %dma_start3A_57 = arith.constant 0 : i32
        %dma_start3A_58 = tpu.memref_slice %arg6[%add3A_56, %dma_start3A_57] : memref<80x128xi32, #tpu.memory_space<vmem>> -> memref<1x128xi32, #tpu.memory_space<vmem>>
        %dma_start3A_59 = tpu.memref_squeeze %dma_start3A_58 : memref<1x128xi32, #tpu.memory_space<vmem>> -> memref<128xi32, #tpu.memory_space<vmem>>
        %dma_start3A_60 = arith.constant 0 : i32
        %dma_start3A_61 = arith.constant 0 : i32
        %dma_start3A_62 = tpu.memref_slice %arg4[%dma_start3A_60, %dma_start3A_61] : memref<10016x56xf32, #tpu.memory_space<hbm>> -> memref<10016x56xf32, #tpu.memory_space<hbm>>
        tpu.enqueue_indirect_dma source(%dma_start3A_62 : memref<10016x56xf32, #tpu.memory_space<hbm>>) target(%arg8 : memref<128x56xf32, #tpu.memory_space<vmem>>) offsets(%dma_start3A_59 : memref<128xi32, #tpu.memory_space<vmem>>) semaphore(%arg12 : memref<!tpu.dma_semaphore, #tpu.memory_space<semaphore_mem>>)
      } else {
      }
      %add3A_53 = arith.constant 1 : i32
      %add3A_54 = arith.addi %mul3A_27, %add3A_53 : i32
      "tpu.region"() ({
        %run_scoped3A = tpu.sem_alloc : memref<!tpu.dma_semaphore, #tpu.memory_space<semaphore_mem>>
        %dma_start3A_55 = arith.constant 0 : i32
        %dma_start3A_56 = tpu.memref_slice %arg7[%add3A_54, %dma_start3A_55] : memref<80x128xi32, #tpu.memory_space<vmem>> -> memref<1x128xi32, #tpu.memory_space<vmem>>
        %dma_start3A_57 = tpu.memref_squeeze %dma_start3A_56 : memref<1x128xi32, #tpu.memory_space<vmem>> -> memref<128xi32, #tpu.memory_space<vmem>>
        %dma_start3A_58 = arith.constant 0 : i32
        %dma_start3A_59 = arith.constant 0 : i32
        %dma_start3A_60 = tpu.memref_slice %arg11[%dma_start3A_58, %dma_start3A_59] : memref<10016x56xf32, #tpu.memory_space<vmem_shared>> -> memref<10016x56xf32, #tpu.memory_space<vmem_shared>>
        tpu.enqueue_indirect_dma source(%arg9 : memref<128x56xf32, #tpu.memory_space<vmem>>) target(%dma_start3A_60 : memref<10016x56xf32, #tpu.memory_space<vmem_shared>>) offsets(%dma_start3A_57 : memref<128xi32, #tpu.memory_space<vmem>>) semaphore(%run_scoped3A : memref<!tpu.dma_semaphore, #tpu.memory_space<semaphore_mem>>) {add = true}
        %dma_wait3A_61 = arith.constant 0 : i32
        %dma_wait3A_62 = tpu.memref_slice %arg7[%add3A_54, %dma_wait3A_61] : memref<80x128xi32, #tpu.memory_space<vmem>> -> memref<1x128xi32, #tpu.memory_space<vmem>>
        %dma_wait3A_63 = tpu.memref_squeeze %dma_wait3A_62 : memref<1x128xi32, #tpu.memory_space<vmem>> -> memref<128xi32, #tpu.memory_space<vmem>>
        %dma_wait3A_64 = arith.constant 0 : i32
        %dma_wait3A_65 = arith.constant 0 : i32
        %dma_wait3A_66 = tpu.memref_slice %arg11[%dma_wait3A_64, %dma_wait3A_65] : memref<10016x56xf32, #tpu.memory_space<vmem_shared>> -> memref<10016x56xf32, #tpu.memory_space<vmem_shared>>
        tpu.wait_indirect_dma semaphore(%run_scoped3A : memref<!tpu.dma_semaphore, #tpu.memory_space<semaphore_mem>>) src(%arg9 : memref<128x56xf32, #tpu.memory_space<vmem>>) dst(%dma_wait3A_66 : memref<10016x56xf32, #tpu.memory_space<vmem_shared>>)
        tpu.yield
      }) : () -> ()
    }
    %scan3A_19 = arith.constant 40 : i32
    %barrier3A_20 = arith.constant 0 : index
    tpu.barrier barrier_id(%barrier3A_20)
    %mul3A_21 = arith.constant 626 : i32
    %mul3A_22 = arith.muli %arg1, %mul3A_21 : i32
    "tpu.region"() ({
      %run_scoped3A = tpu.sem_alloc : memref<!tpu.dma_semaphore, #tpu.memory_space<semaphore_mem>>
      %dma_start3A_25 = arith.constant 0 : i32
      %dma_start3A_26 = tpu.memref_slice %arg11[%mul3A_22, %dma_start3A_25] : memref<10016x56xf32, #tpu.memory_space<vmem_shared>> -> memref<626x56xf32, #tpu.memory_space<vmem_shared>>
      %dma_start3A_27 = arith.constant 0 : i32
      %dma_start3A_28 = tpu.memref_slice %arg11[%mul3A_22, %dma_start3A_27] : memref<10016x56xf32, #tpu.memory_space<vmem_shared>> -> memref<626x56xf32, #tpu.memory_space<vmem_shared>>
      tpu.enqueue_dma source(%dma_start3A_28 : memref<626x56xf32, #tpu.memory_space<vmem_shared>>) target(%arg10 : memref<626x56xf32, #tpu.memory_space<vmem>>) target_semaphore(%run_scoped3A : memref<!tpu.dma_semaphore, #tpu.memory_space<semaphore_mem>>)
      %dma_wait3A = arith.constant 0 : i32
      %dma_wait3A_29 = tpu.memref_slice %arg11[%mul3A_22, %dma_wait3A] : memref<10016x56xf32, #tpu.memory_space<vmem_shared>> -> memref<626x56xf32, #tpu.memory_space<vmem_shared>>
      %dma_wait3A_30 = arith.constant 0 : i32
      %dma_wait3A_31 = tpu.memref_slice %arg11[%mul3A_22, %dma_wait3A_30] : memref<10016x56xf32, #tpu.memory_space<vmem_shared>> -> memref<626x56xf32, #tpu.memory_space<vmem_shared>>
      tpu.wait_dma2 semaphore(%run_scoped3A : memref<!tpu.dma_semaphore, #tpu.memory_space<semaphore_mem>>) src(%dma_wait3A_31 : memref<626x56xf32, #tpu.memory_space<vmem_shared>>) dst(%arg10 : memref<626x56xf32, #tpu.memory_space<vmem>>)
      tpu.yield
    }) : () -> ()
    %mul3A_23 = arith.constant 626 : i32
    %mul3A_24 = arith.muli %arg1, %mul3A_23 : i32
    "tpu.region"() ({
      %run_scoped3A = tpu.sem_alloc : memref<!tpu.dma_semaphore, #tpu.memory_space<semaphore_mem>>
      %dma_start3A_25 = arith.constant 0 : i32
      %dma_start3A_26 = tpu.memref_slice %arg5[%arg0, %mul3A_24, %dma_start3A_25] : memref<2x10016x56xf32, #tpu.memory_space<hbm>> -> memref<1x626x56xf32, #tpu.memory_space<hbm>>
      %dma_start3A_27 = tpu.memref_squeeze %dma_start3A_26 : memref<1x626x56xf32, #tpu.memory_space<hbm>> -> memref<626x56xf32, #tpu.memory_space<hbm>>
      %dma_start3A_28 = arith.constant 0 : i32
      %dma_start3A_29 = tpu.memref_slice %arg5[%arg0, %mul3A_24, %dma_start3A_28] : memref<2x10016x56xf32, #tpu.memory_space<hbm>> -> memref<1x626x56xf32, #tpu.memory_space<hbm>>
      %dma_start3A_30 = tpu.memref_squeeze %dma_start3A_29 : memref<1x626x56xf32, #tpu.memory_space<hbm>> -> memref<626x56xf32, #tpu.memory_space<hbm>>
      tpu.enqueue_dma source(%arg10 : memref<626x56xf32, #tpu.memory_space<vmem>>) target(%dma_start3A_30 : memref<626x56xf32, #tpu.memory_space<hbm>>) target_semaphore(%run_scoped3A : memref<!tpu.dma_semaphore, #tpu.memory_space<semaphore_mem>>)
      %dma_wait3A = arith.constant 0 : i32
      %dma_wait3A_31 = tpu.memref_slice %arg5[%arg0, %mul3A_24, %dma_wait3A] : memref<2x10016x56xf32, #tpu.memory_space<hbm>> -> memref<1x626x56xf32, #tpu.memory_space<hbm>>
      %dma_wait3A_32 = tpu.memref_squeeze %dma_wait3A_31 : memref<1x626x56xf32, #tpu.memory_space<hbm>> -> memref<626x56xf32, #tpu.memory_space<hbm>>
      %dma_wait3A_33 = arith.constant 0 : i32
      %dma_wait3A_34 = tpu.memref_slice %arg5[%arg0, %mul3A_24, %dma_wait3A_33] : memref<2x10016x56xf32, #tpu.memory_space<hbm>> -> memref<1x626x56xf32, #tpu.memory_space<hbm>>
      %dma_wait3A_35 = tpu.memref_squeeze %dma_wait3A_34 : memref<1x626x56xf32, #tpu.memory_space<hbm>> -> memref<626x56xf32, #tpu.memory_space<hbm>>
      tpu.wait_dma2 semaphore(%run_scoped3A : memref<!tpu.dma_semaphore, #tpu.memory_space<semaphore_mem>>) src(%arg10 : memref<626x56xf32, #tpu.memory_space<vmem>>) dst(%dma_wait3A_35 : memref<626x56xf32, #tpu.memory_space<hbm>>)
      tpu.yield
    }) : () -> ()
    return
  }
}

#map = affine_map<(d0, d1) -> (0, 0, 0)>
#map1 = affine_map<(d0, d1) -> (0, 0)>
module attributes {stable_mosaic.version = 14 : i64} {
  func.func @_prop_kernel(%arg0: i32, %arg1: i32, %arg2: memref<32x80x128xi32, #tpu.memory_space<hbm>>, %arg3: memref<32x80x128xi32, #tpu.memory_space<hbm>>, %arg4: memref<10016x56xf32, #tpu.memory_space<hbm>>, %arg5: memref<2x10016x56xf32, #tpu.memory_space<hbm>>, %arg6: memref<80x128xi32, #tpu.memory_space<vmem>>, %arg7: memref<80x128xi32, #tpu.memory_space<vmem>>, %arg8: memref<128x56xf32, #tpu.memory_space<vmem>>, %arg9: memref<128x56xf32, #tpu.memory_space<vmem>>, %arg10: memref<626x56xf32, #tpu.memory_space<vmem>>, %arg11: memref<10016x56xf32, #tpu.memory_space<vmem_shared>>, %arg12: memref<!tpu.dma_semaphore, #tpu.memory_space<semaphore_mem>>, %arg13: memref<!tpu.dma_semaphore, #tpu.memory_space<semaphore_mem>>) attributes {dimension_semantics = [#tpu.dimension_semantics<core_parallel>, #tpu.dimension_semantics<subcore_parallel>], iteration_bounds = array<i64: 2, 16>, scalar_prefetch = 0 : i64, scratch_operands = 8 : i64, tpu.core_type = #tpu.core_type<sc_vector_subcore>, window_params = [{transform_indices = #map}, {transform_indices = #map}, {transform_indices = #map1}, {transform_indices = #map}]} {
    %mul3A = arith.constant 16 : i32
    %mul3A_0 = arith.muli %arg0, %mul3A : i32
    %add3A = arith.addi %mul3A_0, %arg1 : i32
    "tpu.region"() ({
      %run_scoped3A = tpu.sem_alloc : memref<!tpu.dma_semaphore, #tpu.memory_space<semaphore_mem>>
      %dma_start3A_25 = arith.constant 0 : i32
      %dma_start3A_26 = arith.constant 0 : i32
      %dma_start3A_27 = tpu.memref_slice %arg2[%add3A, %dma_start3A_25, %dma_start3A_26] : memref<32x80x128xi32, #tpu.memory_space<hbm>> -> memref<1x80x128xi32, #tpu.memory_space<hbm>>
      %dma_start3A_28 = tpu.memref_squeeze %dma_start3A_27 : memref<1x80x128xi32, #tpu.memory_space<hbm>> -> memref<80x128xi32, #tpu.memory_space<hbm>>
      %dma_start3A_29 = arith.constant 0 : i32
      %dma_start3A_30 = arith.constant 0 : i32
      %dma_start3A_31 = tpu.memref_slice %arg2[%add3A, %dma_start3A_29, %dma_start3A_30] : memref<32x80x128xi32, #tpu.memory_space<hbm>> -> memref<1x80x128xi32, #tpu.memory_space<hbm>>
      %dma_start3A_32 = tpu.memref_squeeze %dma_start3A_31 : memref<1x80x128xi32, #tpu.memory_space<hbm>> -> memref<80x128xi32, #tpu.memory_space<hbm>>
      tpu.enqueue_dma source(%dma_start3A_32 : memref<80x128xi32, #tpu.memory_space<hbm>>) target(%arg6 : memref<80x128xi32, #tpu.memory_space<vmem>>) target_semaphore(%run_scoped3A : memref<!tpu.dma_semaphore, #tpu.memory_space<semaphore_mem>>)
      %dma_wait3A = arith.constant 0 : i32
      %dma_wait3A_33 = arith.constant 0 : i32
      %dma_wait3A_34 = tpu.memref_slice %arg2[%add3A, %dma_wait3A, %dma_wait3A_33] : memref<32x80x128xi32, #tpu.memory_space<hbm>> -> memref<1x80x128xi32, #tpu.memory_space<hbm>>
      %dma_wait3A_35 = tpu.memref_squeeze %dma_wait3A_34 : memref<1x80x128xi32, #tpu.memory_space<hbm>> -> memref<80x128xi32, #tpu.memory_space<hbm>>
      %dma_wait3A_36 = arith.constant 0 : i32
      %dma_wait3A_37 = arith.constant 0 : i32
      %dma_wait3A_38 = tpu.memref_slice %arg2[%add3A, %dma_wait3A_36, %dma_wait3A_37] : memref<32x80x128xi32, #tpu.memory_space<hbm>> -> memref<1x80x128xi32, #tpu.memory_space<hbm>>
      %dma_wait3A_39 = tpu.memref_squeeze %dma_wait3A_38 : memref<1x80x128xi32, #tpu.memory_space<hbm>> -> memref<80x128xi32, #tpu.memory_space<hbm>>
      tpu.wait_dma2 semaphore(%run_scoped3A : memref<!tpu.dma_semaphore, #tpu.memory_space<semaphore_mem>>) src(%dma_wait3A_39 : memref<80x128xi32, #tpu.memory_space<hbm>>) dst(%arg6 : memref<80x128xi32, #tpu.memory_space<vmem>>)
      tpu.yield
    }) : () -> ()
    "tpu.region"() ({
      %run_scoped3A = tpu.sem_alloc : memref<!tpu.dma_semaphore, #tpu.memory_space<semaphore_mem>>
      %dma_start3A_25 = arith.constant 0 : i32
      %dma_start3A_26 = arith.constant 0 : i32
      %dma_start3A_27 = tpu.memref_slice %arg3[%add3A, %dma_start3A_25, %dma_start3A_26] : memref<32x80x128xi32, #tpu.memory_space<hbm>> -> memref<1x80x128xi32, #tpu.memory_space<hbm>>
      %dma_start3A_28 = tpu.memref_squeeze %dma_start3A_27 : memref<1x80x128xi32, #tpu.memory_space<hbm>> -> memref<80x128xi32, #tpu.memory_space<hbm>>
      %dma_start3A_29 = arith.constant 0 : i32
      %dma_start3A_30 = arith.constant 0 : i32
      %dma_start3A_31 = tpu.memref_slice %arg3[%add3A, %dma_start3A_29, %dma_start3A_30] : memref<32x80x128xi32, #tpu.memory_space<hbm>> -> memref<1x80x128xi32, #tpu.memory_space<hbm>>
      %dma_start3A_32 = tpu.memref_squeeze %dma_start3A_31 : memref<1x80x128xi32, #tpu.memory_space<hbm>> -> memref<80x128xi32, #tpu.memory_space<hbm>>
      tpu.enqueue_dma source(%dma_start3A_32 : memref<80x128xi32, #tpu.memory_space<hbm>>) target(%arg7 : memref<80x128xi32, #tpu.memory_space<vmem>>) target_semaphore(%run_scoped3A : memref<!tpu.dma_semaphore, #tpu.memory_space<semaphore_mem>>)
      %dma_wait3A = arith.constant 0 : i32
      %dma_wait3A_33 = arith.constant 0 : i32
      %dma_wait3A_34 = tpu.memref_slice %arg3[%add3A, %dma_wait3A, %dma_wait3A_33] : memref<32x80x128xi32, #tpu.memory_space<hbm>> -> memref<1x80x128xi32, #tpu.memory_space<hbm>>
      %dma_wait3A_35 = tpu.memref_squeeze %dma_wait3A_34 : memref<1x80x128xi32, #tpu.memory_space<hbm>> -> memref<80x128xi32, #tpu.memory_space<hbm>>
      %dma_wait3A_36 = arith.constant 0 : i32
      %dma_wait3A_37 = arith.constant 0 : i32
      %dma_wait3A_38 = tpu.memref_slice %arg3[%add3A, %dma_wait3A_36, %dma_wait3A_37] : memref<32x80x128xi32, #tpu.memory_space<hbm>> -> memref<1x80x128xi32, #tpu.memory_space<hbm>>
      %dma_wait3A_39 = tpu.memref_squeeze %dma_wait3A_38 : memref<1x80x128xi32, #tpu.memory_space<hbm>> -> memref<80x128xi32, #tpu.memory_space<hbm>>
      tpu.wait_dma2 semaphore(%run_scoped3A : memref<!tpu.dma_semaphore, #tpu.memory_space<semaphore_mem>>) src(%dma_wait3A_39 : memref<80x128xi32, #tpu.memory_space<hbm>>) dst(%arg7 : memref<80x128xi32, #tpu.memory_space<vmem>>)
      tpu.yield
    }) : () -> ()
    %scan3A = arith.constant 0 : i32
    %scan3A_1 = arith.constant 0 : i32
    %scan3A_2 = arith.constant 626 : i32
    %scan3A_3 = arith.addi %scan3A_1, %scan3A_2 : i32
    %scan3A_4 = arith.constant 1 : i32
    scf.for %scan3A_25 = %scan3A_1 to %scan3A_3 step %scan3A_4  : i32 {
      %broadcast_in_dim3A = arith.constant 0.000000e+00 : f32
      %broadcast_in_dim3A_26 = vector.broadcast %broadcast_in_dim3A : f32 to vector<16xf32>
      %swap3A = arith.index_cast %scan3A_25 : i32 to index
      %swap3A_27 = arith.constant 0 : index
      %swap3A_28 = tpu.vector_load %arg10[%swap3A, %swap3A_27] {strides = array<i32>} : memref<626x56xf32, #tpu.memory_space<vmem>>, vector<1x16xf32>,
      %swap3A_29 = vector.shape_cast %swap3A_28 : vector<1x16xf32> to vector<16xf32>
      %swap3A_30 = vector.shape_cast %broadcast_in_dim3A_26 : vector<16xf32> to vector<1x16xf32>
      tpu.vector_store %arg10[%swap3A, %swap3A_27], %swap3A_30 {strides = array<i32>} : memref<626x56xf32, #tpu.memory_space<vmem>>, vector<1x16xf32>,
      %broadcast_in_dim3A_31 = arith.constant 0.000000e+00 : f32
      %broadcast_in_dim3A_32 = vector.broadcast %broadcast_in_dim3A_31 : f32 to vector<16xf32>
      %swap3A_33 = arith.index_cast %scan3A_25 : i32 to index
      %swap3A_34 = arith.constant 16 : index
      %swap3A_35 = tpu.vector_load %arg10[%swap3A_33, %swap3A_34] {strides = array<i32>} : memref<626x56xf32, #tpu.memory_space<vmem>>, vector<1x16xf32>,
      %swap3A_36 = vector.shape_cast %swap3A_35 : vector<1x16xf32> to vector<16xf32>
      %swap3A_37 = vector.shape_cast %broadcast_in_dim3A_32 : vector<16xf32> to vector<1x16xf32>
      tpu.vector_store %arg10[%swap3A_33, %swap3A_34], %swap3A_37 {strides = array<i32>} : memref<626x56xf32, #tpu.memory_space<vmem>>, vector<1x16xf32>,
      %broadcast_in_dim3A_38 = arith.constant 0.000000e+00 : f32
      %broadcast_in_dim3A_39 = vector.broadcast %broadcast_in_dim3A_38 : f32 to vector<16xf32>
      %swap3A_40 = arith.index_cast %scan3A_25 : i32 to index
      %swap3A_41 = arith.constant 32 : index
      %swap3A_42 = tpu.vector_load %arg10[%swap3A_40, %swap3A_41] {strides = array<i32>} : memref<626x56xf32, #tpu.memory_space<vmem>>, vector<1x16xf32>,
      %swap3A_43 = vector.shape_cast %swap3A_42 : vector<1x16xf32> to vector<16xf32>
      %swap3A_44 = vector.shape_cast %broadcast_in_dim3A_39 : vector<16xf32> to vector<1x16xf32>
      tpu.vector_store %arg10[%swap3A_40, %swap3A_41], %swap3A_44 {strides = array<i32>} : memref<626x56xf32, #tpu.memory_space<vmem>>, vector<1x16xf32>,
      %broadcast_in_dim3A_45 = arith.constant 0.000000e+00 : f32
      %broadcast_in_dim3A_46 = vector.broadcast %broadcast_in_dim3A_45 : f32 to vector<16xf32>
      %swap3A_47 = arith.index_cast %scan3A_25 : i32 to index
      %swap3A_48 = arith.constant 40 : index
      %swap3A_49 = tpu.vector_load %arg10[%swap3A_47, %swap3A_48] {strides = array<i32>} : memref<626x56xf32, #tpu.memory_space<vmem>>, vector<1x16xf32>,
      %swap3A_50 = vector.shape_cast %swap3A_49 : vector<1x16xf32> to vector<16xf32>
      %swap3A_51 = vector.shape_cast %broadcast_in_dim3A_46 : vector<16xf32> to vector<1x16xf32>
      tpu.vector_store %arg10[%swap3A_47, %swap3A_48], %swap3A_51 {strides = array<i32>} : memref<626x56xf32, #tpu.memory_space<vmem>>, vector<1x16xf32>,
    }
    %scan3A_5 = arith.constant 626 : i32
    %mul3A_6 = arith.constant 626 : i32
    %mul3A_7 = arith.muli %arg1, %mul3A_6 : i32
    "tpu.region"() ({
      %run_scoped3A = tpu.sem_alloc : memref<!tpu.dma_semaphore, #tpu.memory_space<semaphore_mem>>
      %dma_start3A_25 = arith.constant 0 : i32
      %dma_start3A_26 = tpu.memref_slice %arg11[%mul3A_7, %dma_start3A_25] : memref<10016x56xf32, #tpu.memory_space<vmem_shared>> -> memref<626x56xf32, #tpu.memory_space<vmem_shared>>
      %dma_start3A_27 = arith.constant 0 : i32
      %dma_start3A_28 = tpu.memref_slice %arg11[%mul3A_7, %dma_start3A_27] : memref<10016x56xf32, #tpu.memory_space<vmem_shared>> -> memref<626x56xf32, #tpu.memory_space<vmem_shared>>
      tpu.enqueue_dma source(%arg10 : memref<626x56xf32, #tpu.memory_space<vmem>>) target(%dma_start3A_28 : memref<626x56xf32, #tpu.memory_space<vmem_shared>>) target_semaphore(%run_scoped3A : memref<!tpu.dma_semaphore, #tpu.memory_space<semaphore_mem>>)
      %dma_wait3A = arith.constant 0 : i32
      %dma_wait3A_29 = tpu.memref_slice %arg11[%mul3A_7, %dma_wait3A] : memref<10016x56xf32, #tpu.memory_space<vmem_shared>> -> memref<626x56xf32, #tpu.memory_space<vmem_shared>>
      %dma_wait3A_30 = arith.constant 0 : i32
      %dma_wait3A_31 = tpu.memref_slice %arg11[%mul3A_7, %dma_wait3A_30] : memref<10016x56xf32, #tpu.memory_space<vmem_shared>> -> memref<626x56xf32, #tpu.memory_space<vmem_shared>>
      tpu.wait_dma2 semaphore(%run_scoped3A : memref<!tpu.dma_semaphore, #tpu.memory_space<semaphore_mem>>) src(%arg10 : memref<626x56xf32, #tpu.memory_space<vmem>>) dst(%dma_wait3A_31 : memref<626x56xf32, #tpu.memory_space<vmem_shared>>)
      tpu.yield
    }) : () -> ()
    %barrier3A = arith.constant 0 : index
    tpu.barrier barrier_id(%barrier3A)
    %dma_start3A = arith.constant 0 : i32
    %dma_start3A_8 = arith.constant 0 : i32
    %dma_start3A_9 = tpu.memref_slice %arg6[%dma_start3A, %dma_start3A_8] : memref<80x128xi32, #tpu.memory_space<vmem>> -> memref<1x128xi32, #tpu.memory_space<vmem>>
    %dma_start3A_10 = tpu.memref_squeeze %dma_start3A_9 : memref<1x128xi32, #tpu.memory_space<vmem>> -> memref<128xi32, #tpu.memory_space<vmem>>
    %dma_start3A_11 = arith.constant 0 : i32
    %dma_start3A_12 = arith.constant 0 : i32
    %dma_start3A_13 = tpu.memref_slice %arg4[%dma_start3A_11, %dma_start3A_12] : memref<10016x56xf32, #tpu.memory_space<hbm>> -> memref<10016x56xf32, #tpu.memory_space<hbm>>
    tpu.enqueue_indirect_dma source(%dma_start3A_13 : memref<10016x56xf32, #tpu.memory_space<hbm>>) target(%arg8 : memref<128x56xf32, #tpu.memory_space<vmem>>) offsets(%dma_start3A_10 : memref<128xi32, #tpu.memory_space<vmem>>) semaphore(%arg12 : memref<!tpu.dma_semaphore, #tpu.memory_space<semaphore_mem>>)
    %scan3A_14 = arith.constant 0 : i32
    %scan3A_15 = arith.constant 0 : i32
    %scan3A_16 = arith.constant 40 : i32
    %scan3A_17 = arith.addi %scan3A_15, %scan3A_16 : i32
    %scan3A_18 = arith.constant 1 : i32
    scf.for %scan3A_25 = %scan3A_15 to %scan3A_17 step %scan3A_18  : i32 {
      %mul3A_26 = arith.constant 2 : i32
      %mul3A_27 = arith.muli %scan3A_25, %mul3A_26 : i32
      %dma_wait3A = arith.constant 0 : i32
      %dma_wait3A_28 = tpu.memref_slice %arg6[%mul3A_27, %dma_wait3A] : memref<80x128xi32, #tpu.memory_space<vmem>> -> memref<1x128xi32, #tpu.memory_space<vmem>>
      %dma_wait3A_29 = tpu.memref_squeeze %dma_wait3A_28 : memref<1x128xi32, #tpu.memory_space<vmem>> -> memref<128xi32, #tpu.memory_space<vmem>>
      %dma_wait3A_30 = arith.constant 0 : i32
      %dma_wait3A_31 = arith.constant 0 : i32
      %dma_wait3A_32 = tpu.memref_slice %arg4[%dma_wait3A_30, %dma_wait3A_31] : memref<10016x56xf32, #tpu.memory_space<hbm>> -> memref<10016x56xf32, #tpu.memory_space<hbm>>
      tpu.wait_indirect_dma semaphore(%arg12 : memref<!tpu.dma_semaphore, #tpu.memory_space<semaphore_mem>>) src(%dma_wait3A_32 : memref<10016x56xf32, #tpu.memory_space<hbm>>) dst(%arg8 : memref<128x56xf32, #tpu.memory_space<vmem>>)
      %add3A_33 = arith.constant 1 : i32
      %add3A_34 = arith.addi %mul3A_27, %add3A_33 : i32
      %dma_start3A_35 = arith.constant 0 : i32
      %dma_start3A_36 = tpu.memref_slice %arg6[%add3A_34, %dma_start3A_35] : memref<80x128xi32, #tpu.memory_space<vmem>> -> memref<1x128xi32, #tpu.memory_space<vmem>>
      %dma_start3A_37 = tpu.memref_squeeze %dma_start3A_36 : memref<1x128xi32, #tpu.memory_space<vmem>> -> memref<128xi32, #tpu.memory_space<vmem>>
      %dma_start3A_38 = arith.constant 0 : i32
      %dma_start3A_39 = arith.constant 0 : i32
      %dma_start3A_40 = tpu.memref_slice %arg4[%dma_start3A_38, %dma_start3A_39] : memref<10016x56xf32, #tpu.memory_space<hbm>> -> memref<10016x56xf32, #tpu.memory_space<hbm>>
      tpu.enqueue_indirect_dma source(%dma_start3A_40 : memref<10016x56xf32, #tpu.memory_space<hbm>>) target(%arg9 : memref<128x56xf32, #tpu.memory_space<vmem>>) offsets(%dma_start3A_37 : memref<128xi32, #tpu.memory_space<vmem>>) semaphore(%arg13 : memref<!tpu.dma_semaphore, #tpu.memory_space<semaphore_mem>>)
      "tpu.region"() ({
        %run_scoped3A = tpu.sem_alloc : memref<!tpu.dma_semaphore, #tpu.memory_space<semaphore_mem>>
        %dma_start3A_55 = arith.constant 0 : i32
        %dma_start3A_56 = tpu.memref_slice %arg7[%mul3A_27, %dma_start3A_55] : memref<80x128xi32, #tpu.memory_space<vmem>> -> memref<1x128xi32, #tpu.memory_space<vmem>>
        %dma_start3A_57 = tpu.memref_squeeze %dma_start3A_56 : memref<1x128xi32, #tpu.memory_space<vmem>> -> memref<128xi32, #tpu.memory_space<vmem>>
        %dma_start3A_58 = arith.constant 0 : i32
        %dma_start3A_59 = arith.constant 0 : i32
        %dma_start3A_60 = tpu.memref_slice %arg11[%dma_start3A_58, %dma_start3A_59] : memref<10016x56xf32, #tpu.memory_space<vmem_shared>> -> memref<10016x56xf32, #tpu.memory_space<vmem_shared>>
        tpu.enqueue_indirect_dma source(%arg8 : memref<128x56xf32, #tpu.memory_space<vmem>>) target(%dma_start3A_60 : memref<10016x56xf32, #tpu.memory_space<vmem_shared>>) offsets(%dma_start3A_57 : memref<128xi32, #tpu.memory_space<vmem>>) semaphore(%run_scoped3A : memref<!tpu.dma_semaphore, #tpu.memory_space<semaphore_mem>>) {add = true}
        %dma_wait3A_61 = arith.constant 0 : i32
        %dma_wait3A_62 = tpu.memref_slice %arg7[%mul3A_27, %dma_wait3A_61] : memref<80x128xi32, #tpu.memory_space<vmem>> -> memref<1x128xi32, #tpu.memory_space<vmem>>
        %dma_wait3A_63 = tpu.memref_squeeze %dma_wait3A_62 : memref<1x128xi32, #tpu.memory_space<vmem>> -> memref<128xi32, #tpu.memory_space<vmem>>
        %dma_wait3A_64 = arith.constant 0 : i32
        %dma_wait3A_65 = arith.constant 0 : i32
        %dma_wait3A_66 = tpu.memref_slice %arg11[%dma_wait3A_64, %dma_wait3A_65] : memref<10016x56xf32, #tpu.memory_space<vmem_shared>> -> memref<10016x56xf32, #tpu.memory_space<vmem_shared>>
        tpu.wait_indirect_dma semaphore(%run_scoped3A : memref<!tpu.dma_semaphore, #tpu.memory_space<semaphore_mem>>) src(%arg8 : memref<128x56xf32, #tpu.memory_space<vmem>>) dst(%dma_wait3A_66 : memref<10016x56xf32, #tpu.memory_space<vmem_shared>>)
        tpu.yield
      }) : () -> ()
      %add3A_41 = arith.constant 1 : i32
      %add3A_42 = arith.addi %mul3A_27, %add3A_41 : i32
      %dma_wait3A_43 = arith.constant 0 : i32
      %dma_wait3A_44 = tpu.memref_slice %arg6[%add3A_42, %dma_wait3A_43] : memref<80x128xi32, #tpu.memory_space<vmem>> -> memref<1x128xi32, #tpu.memory_space<vmem>>
      %dma_wait3A_45 = tpu.memref_squeeze %dma_wait3A_44 : memref<1x128xi32, #tpu.memory_space<vmem>> -> memref<128xi32, #tpu.memory_space<vmem>>
      %dma_wait3A_46 = arith.constant 0 : i32
      %dma_wait3A_47 = arith.constant 0 : i32
      %dma_wait3A_48 = tpu.memref_slice %arg4[%dma_wait3A_46, %dma_wait3A_47] : memref<10016x56xf32, #tpu.memory_space<hbm>> -> memref<10016x56xf32, #tpu.memory_space<hbm>>
      tpu.wait_indirect_dma semaphore(%arg13 : memref<!tpu.dma_semaphore, #tpu.memory_space<semaphore_mem>>) src(%dma_wait3A_48 : memref<10016x56xf32, #tpu.memory_space<hbm>>) dst(%arg9 : memref<128x56xf32, #tpu.memory_space<vmem>>)
      %add3A_49 = arith.constant 1 : i32
      %add3A_50 = arith.addi %scan3A_25, %add3A_49 : i32
      %lt3A = arith.constant 40 : i32
      %lt3A_51 = arith.cmpi slt, %add3A_50, %lt3A : i32
      %convert_element_type3A = arith.extui %lt3A_51 : i1 to i32
      %cond3A = arith.constant 0 : i32
      %cond3A_52 = arith.cmpi ne, %convert_element_type3A, %cond3A : i32
      scf.if %cond3A_52 {
        %add3A_55 = arith.constant 2 : i32
        %add3A_56 = arith.addi %mul3A_27, %add3A_55 : i32
        %dma_start3A_57 = arith.constant 0 : i32
        %dma_start3A_58 = tpu.memref_slice %arg6[%add3A_56, %dma_start3A_57] : memref<80x128xi32, #tpu.memory_space<vmem>> -> memref<1x128xi32, #tpu.memory_space<vmem>>
        %dma_start3A_59 = tpu.memref_squeeze %dma_start3A_58 : memref<1x128xi32, #tpu.memory_space<vmem>> -> memref<128xi32, #tpu.memory_space<vmem>>
        %dma_start3A_60 = arith.constant 0 : i32
        %dma_start3A_61 = arith.constant 0 : i32
        %dma_start3A_62 = tpu.memref_slice %arg4[%dma_start3A_60, %dma_start3A_61] : memref<10016x56xf32, #tpu.memory_space<hbm>> -> memref<10016x56xf32, #tpu.memory_space<hbm>>
        tpu.enqueue_indirect_dma source(%dma_start3A_62 : memref<10016x56xf32, #tpu.memory_space<hbm>>) target(%arg8 : memref<128x56xf32, #tpu.memory_space<vmem>>) offsets(%dma_start3A_59 : memref<128xi32, #tpu.memory_space<vmem>>) semaphore(%arg12 : memref<!tpu.dma_semaphore, #tpu.memory_space<semaphore_mem>>)
      } else {
      }
      %add3A_53 = arith.constant 1 : i32
      %add3A_54 = arith.addi %mul3A_27, %add3A_53 : i32
      "tpu.region"() ({
        %run_scoped3A = tpu.sem_alloc : memref<!tpu.dma_semaphore, #tpu.memory_space<semaphore_mem>>
        %dma_start3A_55 = arith.constant 0 : i32
        %dma_start3A_56 = tpu.memref_slice %arg7[%add3A_54, %dma_start3A_55] : memref<80x128xi32, #tpu.memory_space<vmem>> -> memref<1x128xi32, #tpu.memory_space<vmem>>
        %dma_start3A_57 = tpu.memref_squeeze %dma_start3A_56 : memref<1x128xi32, #tpu.memory_space<vmem>> -> memref<128xi32, #tpu.memory_space<vmem>>
        %dma_start3A_58 = arith.constant 0 : i32
        %dma_start3A_59 = arith.constant 0 : i32
        %dma_start3A_60 = tpu.memref_slice %arg11[%dma_start3A_58, %dma_start3A_59] : memref<10016x56xf32, #tpu.memory_space<vmem_shared>> -> memref<10016x56xf32, #tpu.memory_space<vmem_shared>>
        tpu.enqueue_indirect_dma source(%arg9 : memref<128x56xf32, #tpu.memory_space<vmem>>) target(%dma_start3A_60 : memref<10016x56xf32, #tpu.memory_space<vmem_shared>>) offsets(%dma_start3A_57 : memref<128xi32, #tpu.memory_space<vmem>>) semaphore(%run_scoped3A : memref<!tpu.dma_semaphore, #tpu.memory_space<semaphore_mem>>) {add = true}
        %dma_wait3A_61 = arith.constant 0 : i32
        %dma_wait3A_62 = tpu.memref_slice %arg7[%add3A_54, %dma_wait3A_61] : memref<80x128xi32, #tpu.memory_space<vmem>> -> memref<1x128xi32, #tpu.memory_space<vmem>>
        %dma_wait3A_63 = tpu.memref_squeeze %dma_wait3A_62 : memref<1x128xi32, #tpu.memory_space<vmem>> -> memref<128xi32, #tpu.memory_space<vmem>>
        %dma_wait3A_64 = arith.constant 0 : i32
        %dma_wait3A_65 = arith.constant 0 : i32
        %dma_wait3A_66 = tpu.memref_slice %arg11[%dma_wait3A_64, %dma_wait3A_65] : memref<10016x56xf32, #tpu.memory_space<vmem_shared>> -> memref<10016x56xf32, #tpu.memory_space<vmem_shared>>
        tpu.wait_indirect_dma semaphore(%run_scoped3A : memref<!tpu.dma_semaphore, #tpu.memory_space<semaphore_mem>>) src(%arg9 : memref<128x56xf32, #tpu.memory_space<vmem>>) dst(%dma_wait3A_66 : memref<10016x56xf32, #tpu.memory_space<vmem_shared>>)
        tpu.yield
      }) : () -> ()
    }
    %scan3A_19 = arith.constant 40 : i32
    %barrier3A_20 = arith.constant 0 : index
    tpu.barrier barrier_id(%barrier3A_20)
    %mul3A_21 = arith.constant 626 : i32
    %mul3A_22 = arith.muli %arg1, %mul3A_21 : i32
    "tpu.region"() ({
      %run_scoped3A = tpu.sem_alloc : memref<!tpu.dma_semaphore, #tpu.memory_space<semaphore_mem>>
      %dma_start3A_25 = arith.constant 0 : i32
      %dma_start3A_26 = tpu.memref_slice %arg11[%mul3A_22, %dma_start3A_25] : memref<10016x56xf32, #tpu.memory_space<vmem_shared>> -> memref<626x56xf32, #tpu.memory_space<vmem_shared>>
      %dma_start3A_27 = arith.constant 0 : i32
      %dma_start3A_28 = tpu.memref_slice %arg11[%mul3A_22, %dma_start3A_27] : memref<10016x56xf32, #tpu.memory_space<vmem_shared>> -> memref<626x56xf32, #tpu.memory_space<vmem_shared>>
      tpu.enqueue_dma source(%dma_start3A_28 : memref<626x56xf32, #tpu.memory_space<vmem_shared>>) target(%arg10 : memref<626x56xf32, #tpu.memory_space<vmem>>) target_semaphore(%run_scoped3A : memref<!tpu.dma_semaphore, #tpu.memory_space<semaphore_mem>>)
      %dma_wait3A = arith.constant 0 : i32
      %dma_wait3A_29 = tpu.memref_slice %arg11[%mul3A_22, %dma_wait3A] : memref<10016x56xf32, #tpu.memory_space<vmem_shared>> -> memref<626x56xf32, #tpu.memory_space<vmem_shared>>
      %dma_wait3A_30 = arith.constant 0 : i32
      %dma_wait3A_31 = tpu.memref_slice %arg11[%mul3A_22, %dma_wait3A_30] : memref<10016x56xf32, #tpu.memory_space<vmem_shared>> -> memref<626x56xf32, #tpu.memory_space<vmem_shared>>
      tpu.wait_dma2 semaphore(%run_scoped3A : memref<!tpu.dma_semaphore, #tpu.memory_space<semaphore_mem>>) src(%dma_wait3A_31 : memref<626x56xf32, #tpu.memory_space<vmem_shared>>) dst(%arg10 : memref<626x56xf32, #tpu.memory_space<vmem>>)
      tpu.yield
    }) : () -> ()
    %mul3A_23 = arith.constant 626 : i32
    %mul3A_24 = arith.muli %arg1, %mul3A_23 : i32
    "tpu.region"() ({
      %run_scoped3A = tpu.sem_alloc : memref<!tpu.dma_semaphore, #tpu.memory_space<semaphore_mem>>
      %dma_start3A_25 = arith.constant 0 : i32
      %dma_start3A_26 = tpu.memref_slice %arg5[%arg0, %mul3A_24, %dma_start3A_25] : memref<2x10016x56xf32, #tpu.memory_space<hbm>> -> memref<1x626x56xf32, #tpu.memory_space<hbm>>
      %dma_start3A_27 = tpu.memref_squeeze %dma_start3A_26 : memref<1x626x56xf32, #tpu.memory_space<hbm>> -> memref<626x56xf32, #tpu.memory_space<hbm>>
      %dma_start3A_28 = arith.constant 0 : i32
      %dma_start3A_29 = tpu.memref_slice %arg5[%arg0, %mul3A_24, %dma_start3A_28] : memref<2x10016x56xf32, #tpu.memory_space<hbm>> -> memref<1x626x56xf32, #tpu.memory_space<hbm>>
      %dma_start3A_30 = tpu.memref_squeeze %dma_start3A_29 : memref<1x626x56xf32, #tpu.memory_space<hbm>> -> memref<626x56xf32, #tpu.memory_space<hbm>>
      tpu.enqueue_dma source(%arg10 : memref<626x56xf32, #tpu.memory_space<vmem>>) target(%dma_start3A_30 : memref<626x56xf32, #tpu.memory_space<hbm>>) target_semaphore(%run_scoped3A : memref<!tpu.dma_semaphore, #tpu.memory_space<semaphore_mem>>)
      %dma_wait3A = arith.constant 0 : i32
      %dma_wait3A_31 = tpu.memref_slice %arg5[%arg0, %mul3A_24, %dma_wait3A] : memref<2x10016x56xf32, #tpu.memory_space<hbm>> -> memref<1x626x56xf32, #tpu.memory_space<hbm>>
      %dma_wait3A_32 = tpu.memref_squeeze %dma_wait3A_31 : memref<1x626x56xf32, #tpu.memory_space<hbm>> -> memref<626x56xf32, #tpu.memory_space<hbm>>
      %dma_wait3A_33 = arith.constant 0 : i32
      %dma_wait3A_34 = tpu.memref_slice %arg5[%arg0, %mul3A_24, %dma_wait3A_33] : memref<2x10016x56xf32, #tpu.memory_space<hbm>> -> memref<1x626x56xf32, #tpu.memory_space<hbm>>
      %dma_wait3A_35 = tpu.memref_squeeze %dma_wait3A_34 : memref<1x626x56xf32, #tpu.memory_space<hbm>> -> memref<626x56xf32, #tpu.memory_space<hbm>>
      tpu.wait_dma2 semaphore(%run_scoped3A : memref<!tpu.dma_semaphore, #tpu.memory_space<semaphore_mem>>) src(%arg10 : memref<626x56xf32, #tpu.memory_space<vmem>>) dst(%dma_wait3A_35 : memref<626x56xf32, #tpu.memory_space<hbm>>)
      tpu.yield
    }) : () -> ()
    return
  }
}

module attributes {stable_mosaic.version = 14 : i64} {
  func.func @_k2_body(%arg0: memref<10000x128xf32, #tpu.memory_space<vmem>>, %arg1: memref<128x60xf32, #tpu.memory_space<vmem>>, %arg2: memref<60x50xf32, #tpu.memory_space<vmem>>, %arg3: memref<20480xf32, #tpu.memory_space<vmem>>, %arg4: memref<10016x56xf32, #tpu.memory_space<vmem>>, %arg5: memref<10000x1xf32, #tpu.memory_space<vmem>>) attributes {dimension_semantics = [], scalar_prefetch = 0 : i64, scratch_operands = 0 : i64, tpu.core_type = #tpu.core_type<tc>} {
    %get3A = arith.constant 0 : index
    %get3A_0 = arith.constant 0 : index
    %get3A_1 = vector.load %arg1[%get3A, %get3A_0] : memref<128x60xf32, #tpu.memory_space<vmem>>, vector<128x60xf32>
    %get3A_2 = arith.constant 0 : index
    %get3A_3 = arith.constant 0 : index
    %get3A_4 = vector.load %arg2[%get3A_2, %get3A_3] : memref<60x50xf32, #tpu.memory_space<vmem>>, vector<60x50xf32>
    %dot_general3A = arith.constant dense<0.000000e+00> : vector<128x50xf32>
    %dot_general3A_5 = tpu.matmul %get3A_1, %get3A_4, %dot_general3A {dimension_numbers = #tpu.dot_dimension_numbers<[1], [0], [0], [1], [0, 0, 1, 1], [], []>, transpose_lhs_hint = false} : vector<128x60xf32>, vector<60x50xf32>, vector<128x50xf32> -> vector<128x50xf32>
    %broadcast_in_dim3A = arith.constant 0.000000e+00 : f32
    %broadcast_in_dim3A_6 = vector.broadcast %broadcast_in_dim3A : f32 to vector<128x6xf32>
    %concatenate3A = tpu.concatenate %dot_general3A_5, %broadcast_in_dim3A_6 in 1 : vector<128x50xf32>, vector<128x6xf32> -> vector<128x56xf32>
    %get3A_7 = arith.constant 0 : index
    %get3A_8 = arith.constant 0 : index
    %get3A_9 = vector.load %arg0[%get3A_7, %get3A_8] : memref<10000x128xf32, #tpu.memory_space<vmem>>, vector<10000x128xf32>
    %dot_general3A_10 = arith.constant dense<0.000000e+00> : vector<10000x56xf32>
    %dot_general3A_11 = tpu.matmul %get3A_9, %concatenate3A, %dot_general3A_10 {dimension_numbers = #tpu.dot_dimension_numbers<[1], [0], [0], [1], [0, 0, 1, 1], [], []>, transpose_lhs_hint = false} : vector<10000x128xf32>, vector<128x56xf32>, vector<10000x56xf32> -> vector<10000x56xf32>
    %get3A_12 = arith.constant 0 : index
    %get3A_13 = vector.load %arg3[%get3A_12] : memref<20480xf32, #tpu.memory_space<vmem>>, vector<20480xf32>
    %slice3A = vector.extract_strided_slice %get3A_13 {offsets = [0], sizes = [10000], strides = [1]} : vector<20480xf32> to vector<10000xf32>
    %add3A = arith.constant 1.000000e+00 : f32
    %add3A_14 = vector.broadcast %add3A : f32 to vector<10000xf32>
    %add3A_15 = arith.addf %add3A_14, %slice3A : vector<10000xf32>
    %slice3A_16 = vector.extract_strided_slice %get3A_13 {offsets = [10240], sizes = [10000], strides = [1]} : vector<20480xf32> to vector<10000xf32>
    %add3A_17 = arith.addf %add3A_15, %slice3A_16 : vector<10000xf32>
    %rsqrt3A = math.rsqrt %add3A_17 : vector<10000xf32>
    %reshape3A = vector.shape_cast %rsqrt3A : vector<10000xf32> to vector<10000x1xf32>
    %iota3A = tpu.iota {dimensions = array<i32: 1>} : vector<10000x56xi32>
    %eq3A = arith.constant 50 : i32
    %eq3A_18 = vector.broadcast %eq3A : i32 to vector<10000x56xi32>
    %eq3A_19 = arith.cmpi eq, %iota3A, %eq3A_18 : vector<10000x56xi32>
    %jit3A = arith.constant 1.000000e+00 : f32
    %jit3A_20 = arith.constant 0.000000e+00 : f32
    %broadcast_in_dim3A_21 = vector.broadcast %jit3A : f32 to vector<10000x56xf32>
    %broadcast_in_dim3A_22 = vector.broadcast %jit3A_20 : f32 to vector<10000x56xf32>
    %select_n3A = arith.select %eq3A_19, %broadcast_in_dim3A_21, %broadcast_in_dim3A_22 : vector<10000x56xi1>, vector<10000x56xf32>
    %add3A_23 = arith.addf %dot_general3A_11, %select_n3A : vector<10000x56xf32>
    %mul3A = vector.broadcast %reshape3A : vector<10000x1xf32> to vector<10000x56xf32>
    %mul3A_24 = arith.mulf %mul3A, %add3A_23 : vector<10000x56xf32>
    %broadcast_in_dim3A_25 = arith.constant 0.000000e+00 : f32
    %broadcast_in_dim3A_26 = vector.broadcast %broadcast_in_dim3A_25 : f32 to vector<16x56xf32>
    %concatenate3A_27 = tpu.concatenate %mul3A_24, %broadcast_in_dim3A_26 in 0 : vector<10000x56xf32>, vector<16x56xf32> -> vector<10016x56xf32>
    %swap3A = arith.constant 0 : index
    %swap3A_28 = arith.constant 0 : index
    %swap3A_29 = vector.load %arg4[%swap3A, %swap3A_28] : memref<10016x56xf32, #tpu.memory_space<vmem>>, vector<10016x56xf32>
    tpu.vector_store %arg4[%swap3A, %swap3A_28], %concatenate3A_27 {strides = array<i32>} : memref<10016x56xf32, #tpu.memory_space<vmem>>, vector<10016x56xf32>,
    %swap3A_30 = arith.constant 0 : index
    %swap3A_31 = arith.constant 0 : index
    %swap3A_32 = vector.load %arg5[%swap3A_30, %swap3A_31] : memref<10000x1xf32, #tpu.memory_space<vmem>>, vector<10000x1xf32>
    tpu.vector_store %arg5[%swap3A_30, %swap3A_31], %reshape3A {strides = array<i32>} : memref<10000x1xf32, #tpu.memory_space<vmem>>, vector<10000x1xf32>,
    return
  }
}

module attributes {stable_mosaic.version = 14 : i64} {
  func.func @_k4_body(%arg0: memref<2x10016x56xf32, #tpu.memory_space<vmem>>, %arg1: memref<10016x56xf32, #tpu.memory_space<vmem>>, %arg2: memref<10000x1xf32, #tpu.memory_space<vmem>>, %arg3: memref<10016x56xf32, #tpu.memory_space<vmem>>) attributes {dimension_semantics = [], scalar_prefetch = 0 : i64, scratch_operands = 0 : i64, tpu.core_type = #tpu.core_type<tc>} {
    %get3A = arith.constant 0 : index
    %get3A_0 = arith.constant 0 : index
    %get3A_1 = vector.load %arg2[%get3A, %get3A_0] : memref<10000x1xf32, #tpu.memory_space<vmem>>, vector<10000x1xf32>
    %mul3A = arith.mulf %get3A_1, %get3A_1 : vector<10000x1xf32>
    %get3A_2 = arith.constant 0 : index
    %get3A_3 = arith.constant 0 : index
    %get3A_4 = arith.constant 0 : index
    %get3A_5 = vector.load %arg0[%get3A_2, %get3A_3, %get3A_4] : memref<2x10016x56xf32, #tpu.memory_space<vmem>>, vector<1x10000x56xf32>
    %get3A_6 = vector.shape_cast %get3A_5 : vector<1x10000x56xf32> to vector<10000x56xf32>
    %get3A_7 = arith.constant 1 : index
    %get3A_8 = arith.constant 0 : index
    %get3A_9 = arith.constant 0 : index
    %get3A_10 = vector.load %arg0[%get3A_7, %get3A_8, %get3A_9] : memref<2x10016x56xf32, #tpu.memory_space<vmem>>, vector<1x10000x56xf32>
    %get3A_11 = vector.shape_cast %get3A_10 : vector<1x10000x56xf32> to vector<10000x56xf32>
    %add3A = arith.addf %get3A_6, %get3A_11 : vector<10000x56xf32>
    %get3A_12 = arith.constant 0 : index
    %get3A_13 = arith.constant 0 : index
    %get3A_14 = vector.load %arg1[%get3A_12, %get3A_13] : memref<10016x56xf32, #tpu.memory_space<vmem>>, vector<10000x56xf32>
    %add3A_15 = arith.addf %add3A, %get3A_14 : vector<10000x56xf32>
    %mul3A_16 = vector.broadcast %mul3A : vector<10000x1xf32> to vector<10000x56xf32>
    %mul3A_17 = arith.mulf %mul3A_16, %add3A_15 : vector<10000x56xf32>
    %broadcast_in_dim3A = arith.constant 0.000000e+00 : f32
    %broadcast_in_dim3A_18 = vector.broadcast %broadcast_in_dim3A : f32 to vector<16x56xf32>
    %concatenate3A = tpu.concatenate %mul3A_17, %broadcast_in_dim3A_18 in 0 : vector<10000x56xf32>, vector<16x56xf32> -> vector<10016x56xf32>
    %swap3A = arith.constant 0 : index
    %swap3A_19 = arith.constant 0 : index
    %swap3A_20 = vector.load %arg3[%swap3A, %swap3A_19] : memref<10016x56xf32, #tpu.memory_space<vmem>>, vector<10016x56xf32>
    tpu.vector_store %arg3[%swap3A, %swap3A_19], %concatenate3A {strides = array<i32>} : memref<10016x56xf32, #tpu.memory_space<vmem>>, vector<10016x56xf32>,
    return
  }
}

module attributes {stable_mosaic.version = 14 : i64} {
  func.func @_k6_body(%arg0: memref<2x10016x56xf32, #tpu.memory_space<vmem>>, %arg1: memref<10016x56xf32, #tpu.memory_space<vmem>>, %arg2: memref<10000x1xf32, #tpu.memory_space<vmem>>, %arg3: memref<10000xi32, #tpu.memory_space<vmem>>, %arg4: memref<60x50xf32, #tpu.memory_space<vmem>>, %arg5: memref<60xf32, #tpu.memory_space<vmem>>, %arg6: memref<50xf32, #tpu.memory_space<vmem>>, %arg7: memref<50x30xf32, #tpu.memory_space<vmem>>, %arg8: memref<30xf32, #tpu.memory_space<vmem>>, %arg9: memref<30x20xf32, #tpu.memory_space<vmem>>, %arg10: memref<20xf32, #tpu.memory_space<vmem>>, %arg11: memref<20x10xf32, #tpu.memory_space<vmem>>, %arg12: memref<10xf32, #tpu.memory_space<vmem>>, %arg13: memref<10x1xf32, #tpu.memory_space<vmem>>, %arg14: memref<1xf32, #tpu.memory_space<vmem>>, %arg15: memref<64x1xf32, #tpu.memory_space<vmem>>) attributes {dimension_semantics = [], scalar_prefetch = 0 : i64, scratch_operands = 0 : i64, tpu.core_type = #tpu.core_type<tc>} {
    %get3A = arith.constant 0 : index
    %get3A_0 = arith.constant 0 : index
    %get3A_1 = vector.load %arg2[%get3A, %get3A_0] : memref<10000x1xf32, #tpu.memory_space<vmem>>, vector<10000x1xf32>
    %get3A_2 = arith.constant 0 : index
    %get3A_3 = arith.constant 0 : index
    %get3A_4 = vector.load %arg1[%get3A_2, %get3A_3] : memref<10016x56xf32, #tpu.memory_space<vmem>>, vector<10000x56xf32>
    %get3A_5 = arith.constant 0 : index
    %get3A_6 = arith.constant 0 : index
    %get3A_7 = arith.constant 0 : index
    %get3A_8 = vector.load %arg0[%get3A_5, %get3A_6, %get3A_7] : memref<2x10016x56xf32, #tpu.memory_space<vmem>>, vector<1x10000x56xf32>
    %get3A_9 = vector.shape_cast %get3A_8 : vector<1x10000x56xf32> to vector<10000x56xf32>
    %get3A_10 = arith.constant 1 : index
    %get3A_11 = arith.constant 0 : index
    %get3A_12 = arith.constant 0 : index
    %get3A_13 = vector.load %arg0[%get3A_10, %get3A_11, %get3A_12] : memref<2x10016x56xf32, #tpu.memory_space<vmem>>, vector<1x10000x56xf32>
    %get3A_14 = vector.shape_cast %get3A_13 : vector<1x10000x56xf32> to vector<10000x56xf32>
    %add3A = arith.addf %get3A_9, %get3A_14 : vector<10000x56xf32>
    %add3A_15 = arith.addf %add3A, %get3A_4 : vector<10000x56xf32>
    %mul3A = vector.broadcast %get3A_1 : vector<10000x1xf32> to vector<10000x56xf32>
    %mul3A_16 = arith.mulf %mul3A, %add3A_15 : vector<10000x56xf32>
    %slice3A = vector.extract_strided_slice %get3A_4 {offsets = [0, 50], sizes = [10000, 1], strides = [1, 1]} : vector<10000x56xf32> to vector<10000x1xf32>
    %div3A = arith.divf %slice3A, %get3A_1 : vector<10000x1xf32>
    %iota3A = tpu.iota {dimensions = array<i32: 1>} : vector<10000x56xi32>
    %eq3A = arith.constant 51 : i32
    %eq3A_17 = vector.broadcast %eq3A : i32 to vector<10000x56xi32>
    %eq3A_18 = arith.cmpi eq, %iota3A, %eq3A_17 : vector<10000x56xi32>
    %eq3A_19 = arith.constant 52 : i32
    %eq3A_20 = vector.broadcast %eq3A_19 : i32 to vector<10000x56xi32>
    %eq3A_21 = arith.cmpi eq, %iota3A, %eq3A_20 : vector<10000x56xi32>
    %jit3A = arith.constant 1.000000e+00 : f32
    %broadcast_in_dim3A = vector.broadcast %jit3A : f32 to vector<10000x56xf32>
    %select_n3A = arith.select %eq3A_21, %broadcast_in_dim3A, %mul3A_16 : vector<10000x56xi1>, vector<10000x56xf32>
    %broadcast_in_dim3A_22 = vector.shape_cast %div3A : vector<10000x1xf32> to vector<10000x1xf32>
    %broadcast_in_dim3A_23 = vector.broadcast %broadcast_in_dim3A_22 : vector<10000x1xf32> to vector<10000x56xf32>
    %select_n3A_24 = arith.select %eq3A_18, %broadcast_in_dim3A_23, %select_n3A : vector<10000x56xi1>, vector<10000x56xf32>
    %get3A_25 = arith.constant 0 : index
    %get3A_26 = vector.load %arg3[%get3A_25] : memref<10000xi32, #tpu.memory_space<vmem>>, vector<10000xi32>
    %reshape3A = vector.shape_cast %get3A_26 : vector<10000xi32> to vector<10000x1xi32>
    %iota3A_27 = tpu.iota {dimensions = array<i32: 1>} : vector<10000x64xi32>
    %eq3A_28 = vector.broadcast %reshape3A : vector<10000x1xi32> to vector<10000x64xi32>
    %eq3A_29 = arith.cmpi eq, %eq3A_28, %iota3A_27 : vector<10000x64xi32>
    %convert_element_type3A = arith.extui %eq3A_29 : vector<10000x64xi1> to vector<10000x64xi32>
    %convert_element_type3A_30 = arith.sitofp %convert_element_type3A : vector<10000x64xi32> to vector<10000x64xf32>
    %dot_general3A = arith.constant dense<0.000000e+00> : vector<64x56xf32>
    %dot_general3A_31 = tpu.matmul %convert_element_type3A_30, %select_n3A_24, %dot_general3A {dimension_numbers = #tpu.dot_dimension_numbers<[0], [0], [1], [1], [0, 1, 1, 1], [], []>, transpose_lhs_hint = false} : vector<10000x64xf32>, vector<10000x56xf32>, vector<64x56xf32> -> vector<64x56xf32>
    %get3A_32 = arith.constant 0 : index
    %get3A_33 = vector.load %arg5[%get3A_32] : memref<60xf32, #tpu.memory_space<vmem>>, vector<60xf32>
    %reshape3A_34 = vector.shape_cast %get3A_33 : vector<60xf32> to vector<1x60xf32>
    %get3A_35 = arith.constant 0 : index
    %get3A_36 = arith.constant 0 : index
    %get3A_37 = vector.load %arg4[%get3A_35, %get3A_36] : memref<60x50xf32, #tpu.memory_space<vmem>>, vector<60x50xf32>
    %dot_general3A_38 = arith.constant dense<0.000000e+00> : vector<1x50xf32>
    %dot_general3A_39 = tpu.matmul %reshape3A_34, %get3A_37, %dot_general3A_38 {dimension_numbers = #tpu.dot_dimension_numbers<[1], [0], [0], [1], [0, 0, 1, 1], [], []>, transpose_lhs_hint = false} : vector<1x60xf32>, vector<60x50xf32>, vector<1x50xf32> -> vector<1x50xf32>
    %slice3A_40 = vector.extract_strided_slice %dot_general3A_31 {offsets = [0, 0], sizes = [64, 50], strides = [1, 1]} : vector<64x56xf32> to vector<64x50xf32>
    %slice3A_41 = vector.extract_strided_slice %dot_general3A_31 {offsets = [0, 51], sizes = [64, 1], strides = [1, 1]} : vector<64x56xf32> to vector<64x1xf32>
    %mul3A_42 = vector.broadcast %slice3A_41 : vector<64x1xf32> to vector<64x50xf32>
    %mul3A_43 = vector.broadcast %dot_general3A_39 : vector<1x50xf32> to vector<64x50xf32>
    %mul3A_44 = arith.mulf %mul3A_42, %mul3A_43 : vector<64x50xf32>
    %add3A_45 = arith.addf %slice3A_40, %mul3A_44 : vector<64x50xf32>
    %slice3A_46 = vector.extract_strided_slice %dot_general3A_31 {offsets = [0, 52], sizes = [64, 1], strides = [1, 1]} : vector<64x56xf32> to vector<64x1xf32>
    %get3A_47 = arith.constant 0 : index
    %get3A_48 = vector.load %arg6[%get3A_47] : memref<50xf32, #tpu.memory_space<vmem>>, vector<50xf32>
    %reshape3A_49 = vector.shape_cast %get3A_48 : vector<50xf32> to vector<1x50xf32>
    %mul3A_50 = vector.broadcast %slice3A_46 : vector<64x1xf32> to vector<64x50xf32>
    %mul3A_51 = vector.broadcast %reshape3A_49 : vector<1x50xf32> to vector<64x50xf32>
    %mul3A_52 = arith.mulf %mul3A_50, %mul3A_51 : vector<64x50xf32>
    %add3A_53 = arith.addf %add3A_45, %mul3A_52 : vector<64x50xf32>
    %get3A_54 = arith.constant 0 : index
    %get3A_55 = arith.constant 0 : index
    %get3A_56 = vector.load %arg7[%get3A_54, %get3A_55] : memref<50x30xf32, #tpu.memory_space<vmem>>, vector<50x30xf32>
    %dot_general3A_57 = arith.constant dense<0.000000e+00> : vector<64x30xf32>
    %dot_general3A_58 = tpu.matmul %add3A_53, %get3A_56, %dot_general3A_57 {dimension_numbers = #tpu.dot_dimension_numbers<[1], [0], [0], [1], [0, 0, 1, 1], [], []>, transpose_lhs_hint = false} : vector<64x50xf32>, vector<50x30xf32>, vector<64x30xf32> -> vector<64x30xf32>
    %get3A_59 = arith.constant 0 : index
    %get3A_60 = vector.load %arg8[%get3A_59] : memref<30xf32, #tpu.memory_space<vmem>>, vector<30xf32>
    %reshape3A_61 = vector.shape_cast %get3A_60 : vector<30xf32> to vector<1x30xf32>
    %add3A_62 = vector.broadcast %reshape3A_61 : vector<1x30xf32> to vector<64x30xf32>
    %add3A_63 = arith.addf %dot_general3A_58, %add3A_62 : vector<64x30xf32>
    %get3A_64 = arith.constant 0 : index
    %get3A_65 = arith.constant 0 : index
    %get3A_66 = vector.load %arg9[%get3A_64, %get3A_65] : memref<30x20xf32, #tpu.memory_space<vmem>>, vector<30x20xf32>
    %dot_general3A_67 = arith.constant dense<0.000000e+00> : vector<64x20xf32>
    %dot_general3A_68 = tpu.matmul %add3A_63, %get3A_66, %dot_general3A_67 {dimension_numbers = #tpu.dot_dimension_numbers<[1], [0], [0], [1], [0, 0, 1, 1], [], []>, transpose_lhs_hint = false} : vector<64x30xf32>, vector<30x20xf32>, vector<64x20xf32> -> vector<64x20xf32>
    %get3A_69 = arith.constant 0 : index
    %get3A_70 = vector.load %arg10[%get3A_69] : memref<20xf32, #tpu.memory_space<vmem>>, vector<20xf32>
    %reshape3A_71 = vector.shape_cast %get3A_70 : vector<20xf32> to vector<1x20xf32>
    %add3A_72 = vector.broadcast %reshape3A_71 : vector<1x20xf32> to vector<64x20xf32>
    %add3A_73 = arith.addf %dot_general3A_68, %add3A_72 : vector<64x20xf32>
    %get3A_74 = arith.constant 0 : index
    %get3A_75 = arith.constant 0 : index
    %get3A_76 = vector.load %arg11[%get3A_74, %get3A_75] : memref<20x10xf32, #tpu.memory_space<vmem>>, vector<20x10xf32>
    %dot_general3A_77 = arith.constant dense<0.000000e+00> : vector<64x10xf32>
    %dot_general3A_78 = tpu.matmul %add3A_73, %get3A_76, %dot_general3A_77 {dimension_numbers = #tpu.dot_dimension_numbers<[1], [0], [0], [1], [0, 0, 1, 1], [], []>, transpose_lhs_hint = false} : vector<64x20xf32>, vector<20x10xf32>, vector<64x10xf32> -> vector<64x10xf32>
    %get3A_79 = arith.constant 0 : index
    %get3A_80 = vector.load %arg12[%get3A_79] : memref<10xf32, #tpu.memory_space<vmem>>, vector<10xf32>
    %reshape3A_81 = vector.shape_cast %get3A_80 : vector<10xf32> to vector<1x10xf32>
    %add3A_82 = vector.broadcast %reshape3A_81 : vector<1x10xf32> to vector<64x10xf32>
    %add3A_83 = arith.addf %dot_general3A_78, %add3A_82 : vector<64x10xf32>
    %get3A_84 = arith.constant 0 : index
    %get3A_85 = arith.constant 0 : index
    %get3A_86 = vector.load %arg13[%get3A_84, %get3A_85] : memref<10x1xf32, #tpu.memory_space<vmem>>, vector<10x1xf32>
    %dot_general3A_87 = arith.constant dense<0.000000e+00> : vector<64x1xf32>
    %dot_general3A_88 = tpu.matmul %add3A_83, %get3A_86, %dot_general3A_87 {dimension_numbers = #tpu.dot_dimension_numbers<[1], [0], [0], [1], [0, 0, 1, 1], [], []>, transpose_lhs_hint = false} : vector<64x10xf32>, vector<10x1xf32>, vector<64x1xf32> -> vector<64x1xf32>
    %get3A_89 = arith.constant 0 : index
    %get3A_90 = vector.load %arg14[%get3A_89] : memref<1xf32, #tpu.memory_space<vmem>>, vector<1xf32>
    %reshape3A_91 = vector.shape_cast %get3A_90 : vector<1xf32> to vector<1x1xf32>
    %add3A_92 = vector.broadcast %reshape3A_91 : vector<1x1xf32> to vector<64x1xf32>
    %add3A_93 = arith.addf %dot_general3A_88, %add3A_92 : vector<64x1xf32>
    %swap3A = arith.constant 0 : index
    %swap3A_94 = arith.constant 0 : index
    %swap3A_95 = vector.load %arg15[%swap3A, %swap3A_94] : memref<64x1xf32, #tpu.memory_space<vmem>>, vector<64x1xf32>
    tpu.vector_store %arg15[%swap3A, %swap3A_94], %add3A_93 {strides = array<i32>} : memref<64x1xf32, #tpu.memory_space<vmem>>, vector<64x1xf32>,
    return
  }
}

</mosaic_0001>

<sc_bundles>
// kernel: kernel.11.cloned.1.call-start
scs
__scs_entry_jumppad:
0x0: {  	(pc) =	sbr.rel $0x88, $3  }
0x1: {  	(tag) =	ssettag $0x0;
	lr =	simm.s32 $0x1  }
0x2: {  	[smem:$0x3F92] =	sst lr;
	_ =	strace $0xD0000000  }
0x3: {  	_ = 	snop  }
0x4: {  	_ = 	snop  }
0x5: {  	_ = 	snop  }
0x6: {  	_ = 	snop  }
0x7: {  	_ = 	snop  }
__scs_overlays_trampoline_lowered:
0x8: {  	[smem:$0x3FA1] =	sst s0  }
0x9: {  	[smem:$0x3FA2] =	sst s1  }
0xa: {  	[smem:$0x3FA3] =	sst s2  }
0xb: {  	[smem:$0x3FA4] =	sst s3  }
0xc: {  	[smem:$0x3FA5] =	sst s4  }
0xd: {  	[smem:$0x3FA6] =	sst s5  }
0xe: {  	[smem:$0x3FA7] =	sst s6  }
0xf: {  	[smem:$0x3FA8] =	sst s7  }
0x10: {  	[smem:$0x3FA9] =	sst s8  }
0x11: {  	[smem:$0x3FAA] =	sst s9;
	s0 =	simm.s32 @!p0 $0x0  }
0x12: {  	s1 =	sld [smem:$0x3F90];
	s0 =	simm.s32 @p0 $0x1  }
0x13: {  	[smem:$0x3FAB] =	sst s0;
	s0 =	simm.s32 @!p1 $0x0  }
0x14: {  	s2 =	sld [smem:$0x3F8F];
	s0 =	simm.s32 @p1 $0x1  }
0x15: {  	[smem:$0x3FAC] =	sst s0;
	s0 =	simm.s32 @!p2 $0x0  }
0x16: {  	s3 =	sld [smem:$0x3FDB];
	s0 =	simm.s32 @p2 $0x1  }
0x17: {  	s4 =	simm.s32 $0x1BF5;
	[smem:$0x3FAE] =	sst s0  }
0x18: {  	s0 =	sld [smem:$0x3F91];
	_ =	swait.ge [sflag:s4], $0x0  }
0x19: {  	s7 =	sld [smem:$0x3F92]  }
0x1a: {  	s8 =	sadd.s32 $0xFFFFE003, lr  }
0x1b: {  	s9 =	sadd.s32 $0xFFFFFEF7, lr;
	s5 =	simm.s32 $0xFFFFFFFF;
	p2 =	slt.u32 s8, $0xFFFFF086  }
0x1c: {  	p1 =	slt.u32 s9, $0xF7A;
	s5 =	simm.s32 @!p2 $0x0  }
0x1d: {  	s5 =	simm.s32 @p1 $0x1;
	p0 =	seq.s32 s7, s2  }
0x1e: {  	s7 =	smul.u32 @!p0 $0xF7A, s2;
	p2 =	seq.s32 @!p0 s5, $0x0  }
0x1f: {  	s9 =	smul.u32 $0xF7A, s1;
	s8 =	simm.s32 @!p0 $0x1BF5;
	p2 =	por !p2, p0  }
0x20: {  	[sflag:s8] =	ssyncset.s32 @!p0 $0xFFFFF086;
	s6 =	sadd.s32 @!p0 s3, s7;
	s7 =	simm.s32 @!p0 $0x108  }
0x21: {  	s3 =	sadd.s32 s3, s9;
	s6 =	sadd.s32 @!p0 $0x88, s6;
	s7 =	simm.s32 @p2 $0x1082  }
0x22: {  	[simem:s7], [sflag:s8] =	dma.local @!p0 [hbm:s6], $0xF7A  }
0x23: {  	s9 =	sor.u32 $0xD0000000, s2;
	s6 =	simm.s32 $0x108;
	_ =	swait.ge @!p0 [sflag:s8], $0x0  }
0x24: {  	s3 =	sadd.s32 $0x88, s3;
	s6 =	simm.s32 @!p1 $0x1082;
	[sflag:s4] =	ssyncset.s32 $0xFFFFF086  }
0x25: {  	[simem:s6], [sflag:s4] =	dma.local [hbm:s3], $0xF7A  }
0x26: {  	[smem:$0x3F92] =	sst s1;
	(tag) =	ssettag s2;
	_ =	strace s9  }
0x27: {  	s1 =	sld [smem:$0x3FA2]  }
0x28: {  	s2 =	sld [smem:$0x3FA3]  }
0x29: {  	s4 =	sld [smem:$0x3FA5]  }
0x2a: {  	p0 =	seq.s32 s5, $0x0;
	s5 =	sld [smem:$0x3FA6]  }
0x2b: {  	s6 =	sld [smem:$0x3FA7]  }
0x2c: {  	s7 =	sld [smem:$0x3FA8]  }
0x2d: {  	s3 =	simm.s32 $0x108;
	s8 =	sld [smem:$0x3FA9]  }
0x2e: {  	s3 =	simm.s32 @!p0 $0x1082;
	s9 =	sld [smem:$0x3FAA]  }
0x2f: {  	lr =	sadd.s32 s0, s3;
	s0 =	sld [smem:$0x3FA1]  }
0x30: {  	s3 =	sld [smem:$0x3FA4]  }
0x31: {  	[smem:$0x3FAD] =	sst s10  }
0x32: {  	s10 =	sld [smem:$0x3FAB];
	_ =	sdelay $0x3  }
0x33: {  	p0 =	seq.s32 s10, $0x1;
	s10 =	sld [smem:$0x3FAD];
	_ =	sdelay $0x3  }
0x34: {  	[smem:$0x3FAD] =	sst s10  }
0x35: {  	s10 =	sld [smem:$0x3FAC];
	_ =	sdelay $0x3  }
0x36: {  	p1 =	seq.s32 s10, $0x1;
	s10 =	sld [smem:$0x3FAD];
	_ =	sdelay $0x3  }
0x37: {  	[smem:$0x3FAD] =	sst s10  }
0x38: {  	s10 =	sld [smem:$0x3FAE]  }
0x39: {  	_ = 	snop;
	(pc) =	sbr.ind lr, $3  }
0x3a: {  	_ = 	snop  }
0x3b: {  	_ = 	snop  }
0x3c: {  	p2 =	seq.s32 s10, $0x1;
	s10 =	sld [smem:$0x3FAD]  }
0x3d: {  	_ =	shalt  }
0x3e: {  	_ =	shalt  }
0x3f: {  	_ =	shalt  }
0x40: {  	_ =	shalt  }
0x41: {  	_ =	shalt  }
0x42: {  	_ =	shalt  }
0x43: {  	_ =	shalt  }
0x44: {  	_ =	shalt  }
0x45: {  	_ =	shalt  }
0x46: {  	_ =	shalt  }
0x47: {  	_ =	shalt  }
0x48: {  	_ =	shalt  }
0x49: {  	_ =	shalt  }
0x4a: {  	_ =	shalt  }
0x4b: {  	_ =	shalt  }
0x4c: {  	_ =	shalt  }
0x4d: {  	_ =	shalt  }
0x4e: {  	_ =	shalt  }
0x4f: {  	_ =	shalt  }
0x50: {  	_ =	shalt  }
0x51: {  	_ =	shalt  }
0x52: {  	_ =	shalt  }
0x53: {  	_ =	shalt  }
0x54: {  	_ =	shalt  }
0x55: {  	_ =	shalt  }
0x56: {  	_ =	shalt  }
0x57: {  	_ =	shalt  }
0x58: {  	_ =	shalt  }
0x59: {  	_ =	shalt  }
0x5a: {  	_ =	shalt  }
0x5b: {  	_ =	shalt  }
0x5c: {  	_ =	shalt  }
0x5d: {  	_ =	shalt  }
0x5e: {  	_ =	shalt  }
0x5f: {  	_ =	shalt  }
0x60: {  	_ =	shalt  }
0x61: {  	_ =	shalt  }
0x62: {  	_ =	shalt  }
0x63: {  	_ =	shalt  }
0x64: {  	_ =	shalt  }
0x65: {  	_ =	shalt  }
0x66: {  	_ =	shalt  }
0x67: {  	_ =	shalt  }
0x68: {  	_ =	shalt  }
0x69: {  	_ =	shalt  }
0x6a: {  	_ =	shalt  }
0x6b: {  	_ =	shalt  }
0x6c: {  	_ =	shalt  }
0x6d: {  	_ =	shalt  }
0x6e: {  	_ =	shalt  }
0x6f: {  	_ =	shalt  }
0x70: {  	_ =	shalt  }
0x71: {  	_ =	shalt  }
0x72: {  	_ =	shalt  }
0x73: {  	_ =	shalt  }
0x74: {  	_ =	shalt  }
0x75: {  	_ =	shalt  }
0x76: {  	_ =	shalt  }
0x77: {  	_ =	shalt  }
0x78: {  	_ =	shalt  }
0x79: {  	_ =	shalt  }
0x7a: {  	_ =	shalt  }
0x7b: {  	_ =	shalt  }
0x7c: {  	_ =	shalt  }
0x7d: {  	_ =	shalt  }
0x7e: {  	_ =	shalt  }
0x7f: {  	_ =	shalt  }
0x80: {  	_ =	shalt  }
0x81: {  	_ =	shalt  }
0x82: {  	_ =	shalt  }
0x83: {  	_ =	shalt  }
0x84: {  	_ =	shalt  }
0x85: {  	_ =	shalt  }
0x86: {  	_ =	shalt  }
0x87: {  	_ =	shalt  }
.Lfunc_end0:
.L_simem_size_0:
called_computation.1_lowered:
.L_overlay_start_0:
0x88: {  	s2 =	sld [smem:$0x3FD9]  }
0x89: {  	s3 =	sld [smem:$0x3FFE];
	_ =	sdelay $0x1  }
0x8a: {  	s1 =	srdreg.scid  }
0x8b: {  	s0 =	sand.u32 $0x1, s1  }
0x8c: {  	s16 =	sshll.u32 s0, $0xA;
	s2 =	sadd.s32 s3, s2  }
0x8d: {  	s2 =	sadd.s32 s2, s16  }
0x8e: {  	[smem:$0x3FB9] =	sst s2  }
0x8f: {  	_ = 	snop  }
0x90: {  	(tm) =	ssettm $0x1  }
0x91: {  	s17 =	sld [smem:$0x3FFB];
	_ =	sdelay $0x3  }
0x92: {  	_ =	strace s17  }
0x93: {  	s2 =	sld [smem:$0x3FFC];
	_ =	sdelay $0x3  }
0x94: {  	_ =	strace s2  }
0x95: {  	s2 =	sld [smem:$0x3FFD];
	_ =	sdelay $0x3  }
0x96: {  	_ =	strace s2  }
0x97: {  	_ =	strace $0x8FFFFFFF  }
0x98: {  	s18 =	sld [smem:$0x3FDB];
	_ =	sdelay $0x1  }
0x99: {  	s19 =	simm.s32 $_scs_section_size  }
0x9a: {  	s4 =	simm.s32 $_size__tile_overlayer_lowered;
	s5 =	simm.s32 $_tile_overlayer_lowered  }
0x9b: {  	s22 =	simm.s32 $0x1BFF;
	s21 =	sshll.u32 s5, $0x1;
	s2 =	sadd.s32 s19, s18  }
0x9c: {  	s6 =	simm.s32 $0x0;
	s20 =	sshll.u32 s4, $0x1;
	s4 =	sadd.s32 s21, s2  }
0x9d: {  	[timem:s6], [sflag:s22] =	dma.local [hbm:s4], s20  }
0x9e: {  	_ =	swait.ge [sflag:s22], s20  }
0x9f: {  	s3 =	ssub.s32 $0x0, s20;
	[sflag:s22] =	ssyncset.done $0x0  }
0xa0: {  	[sflag:s22] =	ssyncadd.s32 s3;
	_ =	sdelay $0x1  }
0xa1: {  	s23 =	simm.s32 $0x1B8B  }
0xa2: {  	_ =	swait.ge [sflag:s23], $0x1  }
0xa3: {  	[sflag:s23] =	ssyncset.done $0x0  }
0xa4: {  	s25 =	simm.s32 $0x1B8E;
	s24 =	sld [smem:$0x3FFE];
	[sflag:s23] =	ssyncadd.s32 $0xFFFFFFFF  }
0xa5: {  	s26 =	simm.s32 $execute0_lowered;
	[smem:$0x3FD2] =	sst s25  }
0xa6: {  	s4 =	sshll.u32 s26, $0x1;
	_ =	strace $0x80000049;
	[dreg:$0x1] =	wrdreg $0xFFFFFFFF  }
0xa7: {  	s28 =	simm.s32 $_size_execute0_lowered;
	s2 =	sadd.s32 s2, s4;
	[dreg:$0x0] =	wrdreg $0x0  }
0xa8: {  	s4 =	sshll.u32 s28, $0x1;
	[dreg:$0x2] =	wrdreg s2  }
0xa9: {  	[dreg:$0x3] =	wrdreg s4  }
0xaa: {  	[dreg:$0x4] =	wrdreg $0xC0  }
0xab: {  	_ =	task [dreg:s6], $0x5FFFF  }
0xac: {  	[dreg:$0x1] =	wrdreg $0xFFFFFFFF  }
0xad: {  	[dreg:$0x0] =	wrdreg $0x60  }
0xae: {  	[dreg:$0x2] =	wrdreg s24  }
0xaf: {  	[dreg:$0x3] =	wrdreg $0x110F00  }
0xb0: {  	[dreg:$0x4] =	wrdreg $0x9  }
0xb1: {  	_ =	task.clear_ibuf [dreg:s6], $0x5FFFF;
	_ =	strace $0x90000049  }
0xb2: {  	s29 =	simm.s32 $0x9;
	_ =	strace $0x8000004B  }
0xb3: {  	_ =	swait.ge [sflag:s29], $0x1  }
0xb4: {  	[sflag:s29] =	ssyncadd.s32 $0xFFFFFFFF  }
0xb5: {  	_ =	strace $0x9000004B  }
0xb6: {  	_ =	sfence  }
0xb7: {  	s30 =	sld [smem:$0x0];
	_ =	sdelay $0x2  }
0xb8: {  	s31 =	sshll.u32 s1, $0xD;
	s1 =	sshrl.u32 s1, $0x2  }
0xb9: {  	s3 =	sand.u32 $0x4000, s31;
	s1 =	sadd.s32 s1, s30  }
0xba: {  	s0 =	sor.u32 s3, s0;
	s1 =	sshll.u32 s1, $0x11  }
0xbb: {  	s0 =	sor.u32 s1, s0  }
0xbc: {  	s0 =	sadd.s32 $0x8F2B, s0  }
0xbd: {  	[sflag:s0] =	ssyncadd.remote.s32 $0x1  }
0xbe: {  	_ =	sfence.sel $0xFFFF  }
0xbf: {  	[dreg:$0x0] =	wrdreg $0xFFFFFFFF;
	(pc) =	sbr.abs _section_cstart, $3  }
0xc0: {  	[dreg:$0x1] =	wrdreg $0xFFFFFFFF  }
0xc1: {  	_ =	task.clear_ibuf [dreg:s6], $0x2FFFF;
	_ =	strace $0x9FFFFFFF  }
0xc2: {  	(tm) =	ssettm $0x7FFFFFFF  }
0xc3: {  	_ =	shalt  }
tec
execute0_lowered:
.L_overlay_start_1:
0x0: {  	(tag) =	ssettag $0x1  }
0x1: {  	s5 =	rddreg [dreg:$0x0]  }
0x2: {  	s0 =	srdreg.scid;
	s2 =	rddreg [dreg:$0x1]  }
0x3: {  	s1 =	stileid.u32;
	s3 =	simm.s32 $0x0;
	s10 =	simm.s32 $0x3  }
0x4: {  	s11 =	simm.s32 $0x2800;
	s12 =	simm.s32 $0x8800;
	s13 =	simm.s32 $0x80  }
0x5: {  	s14 =	simm.s32 $0x5000;
	s15 =	simm.s32 $0x1;
	s16 =	simm.s32 $0x6C00  }
0x6: {  	s17 =	simm.s32 $0x2;
	s18 =	simm.s32 $0x2780;
	s19 =	simm.s32 $0x4F00  }
0x7: {  	s20 =	simm.s32 $0x4F80;
	s4 =	sand.u32 $0x1, s0;
	s0 =	rddreg [dreg:$0x2]  }
0x8: {  	s21 =	simm.s32 $0x0;
	s7 =	smul.u32 $0x88F0, s1;
	[smem:$0x7FF] =	sst s3  }
0x9: {  	s6 =	sshll.u32 s4, $0x4;
	s8 =	smul.u32 $0x88F00, s4;
	_ =	strace $0x8000004A  }
0xa: {  	s9 =	ssub.s32 $0x2, s4;
	s4 =	sadd.s32 $0x17200, s5;
	s6 =	sor.u32 s1, s6  }
0xb: {  	s31 =	sshrl.u32 s9, $0x1;
	s6 =	smul.u32 $0x500, s6;
	s8 =	sadd.s32 s7, s8  }
0xc: {  	s9 =	ssub.s32 s9, s31;
	s7 =	sadd.s32 s7, s2;
	s8 =	sshrl.u32 s8, $0x3  }
0xd: {  	s9 =	smax.u32 s9, $0x1;
	s6 =	sadd.s32 s6, s5;
	s8 =	sadd.s32 s8, s5  }
0xe: {  	v0 =	vimm.f32 $0.0e+00;
	s5 =	sadd.s32 $0xD200, s6;
	s6 =	sadd.s32 $0x2800, s6;
	s8 =	sadd.s32 $0x28400, s8  }
.LBB2_1:
0xf: {  	[tilespmem:s3], [sflag:$0x3] =	stream.linear.gather [hbm4b:s5+s3], $0x2800, $0x38;
	[tilespmem:$0x199E0] =	vst v63  }
0x10: {  	_ =	swait.ge [sflag:s10], $0x2800  }
0x11: {  	[sflag:s10] =	ssyncset.done $0x0  }
0x12: {  	[sflag:s10] =	ssyncadd.s32 $0xFFFFD800  }
0x13: {  	[tilespmem:s11], [sflag:$0x3] =	stream.linear.gather [hbm4b:s6+s3], $0x2800, $0x38;
	[tilespmem:$0x199E0] =	vst v63  }
0x14: {  	_ =	swait.ge [sflag:s10], $0x2800  }
0x15: {  	[sflag:s10] =	ssyncset.done $0x0  }
0x16: {  	s22 =	simm.s32 $0x0;
	[sflag:s10] =	ssyncadd.s32 $0xFFFFD800  }
0x17: {  	s23 =	simm.s32 $0xE0;
	[tilespmem:s22+$0x8810] =	vst v0  }
.LBB2_2:
0x18: {  	p0 =	sne.s32 s23, $0x222E0;
	[tilespmem:s22+$0x8820] =	vst v0;
	s24 =	smov.u32 s23;
	s23 =	sadd.s32 $0xE0, s23  }
.Ltmp0:
0x19: {  	[tilespmem:s22+$0x8828] =	vst v0;
	(pc) =	sbr.rel @p0 .LBB2_2-.Ltmp0, $3  }
0x1a: {  	[tilespmem:s22+$0x8800] =	vst v0;
	_ =	sdelay $0x1  }
0x1b: {  	s22 =	sshra.s32 s24, $0x2  }
0x1c: {  	[tilespmem:s22+$0x8810] =	vst v0  }
0x1d: {  	[tilespmem:s22+$0x8820] =	vst v0  }
0x1e: {  	[tilespmem:s22+$0x8800] =	vst v0  }
0x1f: {  	[tilespmem:s22+$0x8828] =	vst v0  }
0x20: {  	[spmem:s7] =	stream.linear.scatter [tilespmem:s12], [sflag:$0x3], $0x88F0, $0x38;
	[tilespmem:$0x199E0] =	vst v63  }
0x21: {  	_ =	swait.ge [sflag:s10], $0x88F0  }
0x22: {  	[sflag:s10] =	ssyncset.done $0x0  }
0x23: {  	[sflag:s10] =	ssyncadd.s32 $0xFFFF7710  }
0x24: {  	s26 =	simm.s32 $0x0;
	[bflag:$0x0] =	sbarrier.arrive $0xFFFF  }
0x25: {  	[tilespmem:s14], [sflag:$0x1] =	stream.indirect.gather [hbm4b:s4+s13], $0x38, s26, s13, $0xb8;
	[tilespmem:$0x199E0] =	vst v63  }
0x26: {  	_ =	swait.ge [sflag:s15], $0x1C00  }
0x27: {  	[sflag:s15] =	ssyncset.done $0x0  }
0x28: {  	s28 =	simm.s32 $0x80;
	[sflag:s15] =	ssyncadd.s32 $0xFFFFE400  }
0x29: {  	[tilespmem:s16], [sflag:$0x2] =	stream.indirect.gather [hbm4b:s4+s13], $0x38, s28, s13, $0xb8;
	[tilespmem:$0x199E0] =	vst v63  }
0x2a: {  	s29 =	simm.s32 $0x2800  }
0x2b: {  	[spmem:s2] =	stream.indirect.scatter.add.f32 [tilespmem:s14], [sflag:$0x3], $0x38, s29, s13, $0xb8;
	[tilespmem:$0x199E0] =	vst v63  }
0x2c: {  	_ =	swait.ge [sflag:s10], $0x1C00  }
0x2d: {  	[sflag:s10] =	ssyncset.done $0x0  }
0x2e: {  	[sflag:s10] =	ssyncadd.s32 $0xFFFFE400  }
0x2f: {  	_ =	swait.ge [sflag:s17], $0x1C00  }
0x30: {  	[sflag:s17] =	ssyncset.done $0x0  }
0x31: {  	s30 =	simm.s32 $0x100;
	[sflag:s17] =	ssyncadd.s32 $0xFFFFE400  }
0x32: {  	[tilespmem:s14], [sflag:$0x1] =	stream.indirect.gather [hbm4b:s4+s13], $0x38, s30, s13, $0xb8;
	[tilespmem:$0x199E0] =	vst v63  }
0x33: {  	s31 =	simm.s32 $0x2880  }
0x34: {  	[spmem:s2] =	stream.indirect.scatter.add.f32 [tilespmem:s16], [sflag:$0x3], $0x38, s31, s13, $0xb8;
	[tilespmem:$0x199E0] =	vst v63  }
0x35: {  	_ =	swait.ge [sflag:s10], $0x1C00  }
0x36: {  	s22 =	simm.s32 $0x400;
	[sflag:s10] =	ssyncset.done $0x0  }
.LBB2_4:
0x37: {  	p0 =	sne.s32 s22, $0x9800  }
0x38: {  	[sflag:s10] =	ssyncadd.s32 $0xFFFFE400;
	s23 =	smov.u32 s22;
	s22 =	sadd.s32 $0x400, s22  }
0x39: {  	_ = 	snop  }
0x3a: {  	_ =	swait.ge [sflag:s15], $0x1C00  }
0x3b: {  	s23 =	sshra.s32 s23, $0x2;
	[sflag:s15] =	ssyncset.done $0x0  }
0x3c: {  	s24 =	sadd.s32 $0x80, s23;
	[sflag:s15] =	ssyncadd.s32 $0xFFFFE400  }
0x3d: {  	[tilespmem:s16], [sflag:$0x2] =	stream.indirect.gather [hbm4b:s4+s13], $0x38, s24, s13, $0xb8;
	[tilespmem:$0x199E0] =	vst v63  }
0x3e: {  	s24 =	sadd.s32 $0x2800, s23  }
0x3f: {  	[spmem:s2] =	stream.indirect.scatter.add.f32 [tilespmem:s14], [sflag:$0x3], $0x38, s24, s13, $0xb8;
	[tilespmem:$0x199E0] =	vst v63  }
0x40: {  	_ =	swait.ge [sflag:s10], $0x1C00  }
0x41: {  	[sflag:s10] =	ssyncset.done $0x0  }
0x42: {  	[sflag:s10] =	ssyncadd.s32 $0xFFFFE400  }
0x43: {  	_ =	swait.ge [sflag:s17], $0x1C00  }
0x44: {  	[sflag:s17] =	ssyncset.done $0x0  }
0x45: {  	s24 =	sadd.s32 $0x100, s23;
	[sflag:s17] =	ssyncadd.s32 $0xFFFFE400  }
0x46: {  	[tilespmem:s14], [sflag:$0x1] =	stream.indirect.gather [hbm4b:s4+s13], $0x38, s24, s13, $0xb8;
	[tilespmem:$0x199E0] =	vst v63  }
.Ltmp1:
0x47: {  	_ = 	snop;
	(pc) =	sbr.rel @p0 .LBB2_4-.Ltmp1, $4  }
0x48: {  	s23 =	sadd.s32 $0x2880, s23  }
0x49: {  	[spmem:s2] =	stream.indirect.scatter.add.f32 [tilespmem:s16], [sflag:$0x3], $0x38, s23, s13, $0xb8;
	[tilespmem:$0x199E0] =	vst v63  }
0x4a: {  	_ =	swait.ge [sflag:s10], $0x1C00  }
0x4b: {  	[sflag:s10] =	ssyncset.done $0x0  }
0x4c: {  	[sflag:s10] =	ssyncadd.s32 $0xFFFFE400  }
0x4d: {  	_ =	swait.ge [sflag:s15], $0x1C00  }
0x4e: {  	[sflag:s15] =	ssyncset.done $0x0  }
0x4f: {  	[sflag:s15] =	ssyncadd.s32 $0xFFFFE400  }
0x50: {  	[tilespmem:s16], [sflag:$0x2] =	stream.indirect.gather [hbm4b:s4+s13], $0x38, s18, s13, $0xb8;
	[tilespmem:$0x199E0] =	vst v63  }
0x51: {  	_ = 	snop  }
0x52: {  	[spmem:s2] =	stream.indirect.scatter.add.f32 [tilespmem:s14], [sflag:$0x3], $0x38, s19, s13, $0xb8;
	[tilespmem:$0x199E0] =	vst v63  }
0x53: {  	_ =	swait.ge [sflag:s10], $0x1C00  }
0x54: {  	[sflag:s10] =	ssyncset.done $0x0  }
0x55: {  	[sflag:s10] =	ssyncadd.s32 $0xFFFFE400  }
0x56: {  	_ =	swait.ge [sflag:s17], $0x1C00  }
0x57: {  	[sflag:s17] =	ssyncset.done $0x0  }
0x58: {  	[sflag:s17] =	ssyncadd.s32 $0xFFFFE400  }
0x59: {  	[spmem:s2] =	stream.indirect.scatter.add.f32 [tilespmem:s16], [sflag:$0x3], $0x38, s20, s13, $0xb8;
	[tilespmem:$0x199E0] =	vst v63  }
0x5a: {  	_ =	swait.ge [sflag:s10], $0x1C00  }
0x5b: {  	[sflag:s10] =	ssyncset.done $0x0  }
0x5c: {  	[sflag:s10] =	ssyncadd.s32 $0xFFFFE400  }
0x5d: {  	[bflag:$0x0] =	sbarrier.arrive $0xFFFF  }
0x5e: {  	[tilespmem:s12], [sflag:$0x3] =	stream.linear.gather [spmem:s7], $0x88F0, $0x38;
	[tilespmem:$0x199E0] =	vst v63  }
0x5f: {  	s21 =	sadd.s32 $0x1, s21;
	_ =	swait.ge [sflag:s10], $0x88F0  }
0x60: {  	p0 =	sne.s32 s21, s9;
	[sflag:s10] =	ssyncset.done $0x0  }
.Ltmp2:
0x61: {  	[sflag:s10] =	ssyncadd.s32 $0xFFFF7710;
	(pc) =	sbr.rel @p0 .LBB2_1-.Ltmp2, $4  }
0x62: {  	[hbm4b:s8+s3] =	stream.linear.scatter [tilespmem:s12], [sflag:$0x3], $0x88F0, $0x38;
	[tilespmem:$0x199E0] =	vst v63  }
0x63: {  	_ =	swait.ge [sflag:s10], $0x88F0  }
0x64: {  	[sflag:s10] =	ssyncset.done $0x0  }
0x65: {  	[sflag:s10] =	ssyncadd.s32 $0xFFFF7710  }
0x66: {  	_ =	sfence.sel $0x180000  }
0x67: {  	[bflag:$0x0] =	sbarrier.arrive $0xFFFF  }
0x68: {  	p0 =	sne.s32 s1, $0x0;
	_ =	strace $0x9000004A  }
0x69: {  	s0 =	sadd.s32 @!p0 $0x100000, s0;
	[bflag:$0x2] =	sbarrier.arrive $0xFFFF  }
0x6a: {  	[sflag:s0] =	ssyncadd.tile.s32 @!p0 $0x1;
	_ =	shalt  }
.Lfunc_end2:
_tile_overlayer_lowered:
.L_overlay_start_2:
0x6b: {  	(tag) =	ssettag $0x2  }
0x6c: {  	s0 =	rddreg [dreg:$0x0];
	s2 =	stileid.u32  }
0x6d: {  	s1 =	rddreg [dreg:$0x1];
	p0 =	sne.s32 s2, $0x0  }
0x6e: {  	s3 =	rddreg [dreg:$0x2];
	[bflag:$0x3] =	sbarrier.arrive $0xFFFF;
	s2 =	simm.s32 @!p0 $0x1C03  }
0x6f: {  	[timem:s3], [sflag:s2] =	dma.local @!p0 [hbm:s0], s1  }
0x70: {  	s0 =	simm.s32 @!p0 $0x3  }
0x71: {  	_ =	swait.ge @!p0 [sflag:s0], s1  }
0x72: {  	s1 =	ssub.s32 @!p0 $0x0, s1;
	[sflag:s0] =	ssyncset.done @!p0 $0x0  }
0x73: {  	[sflag:s0] =	ssyncadd.s32 @!p0 s1  }
0x74: {  	[bflag:$0x3] =	sbarrier.arrive $0xFFFF  }
0x75: {  	_ =	shalt  }

// kernel: kernel.14.cloned.1.call-start
scs
__scs_entry_jumppad:
0x0: {  	(pc) =	sbr.rel $0x88, $3  }
0x1: {  	(tag) =	ssettag $0x0;
	lr =	simm.s32 $0x1  }
0x2: {  	[smem:$0x3F92] =	sst lr;
	_ =	strace $0xD0000000  }
0x3: {  	_ = 	snop  }
0x4: {  	_ = 	snop  }
0x5: {  	_ = 	snop  }
0x6: {  	_ = 	snop  }
0x7: {  	_ = 	snop  }
__scs_overlays_trampoline_lowered:
0x8: {  	[smem:$0x3FA1] =	sst s0  }
0x9: {  	[smem:$0x3FA2] =	sst s1  }
0xa: {  	[smem:$0x3FA3] =	sst s2  }
0xb: {  	[smem:$0x3FA4] =	sst s3  }
0xc: {  	[smem:$0x3FA5] =	sst s4  }
0xd: {  	[smem:$0x3FA6] =	sst s5  }
0xe: {  	[smem:$0x3FA7] =	sst s6  }
0xf: {  	[smem:$0x3FA8] =	sst s7  }
0x10: {  	[smem:$0x3FA9] =	sst s8  }
0x11: {  	[smem:$0x3FAA] =	sst s9;
	s0 =	simm.s32 @!p0 $0x0  }
0x12: {  	s1 =	sld [smem:$0x3F90];
	s0 =	simm.s32 @p0 $0x1  }
0x13: {  	[smem:$0x3FAB] =	sst s0;
	s0 =	simm.s32 @!p1 $0x0  }
0x14: {  	s2 =	sld [smem:$0x3F8F];
	s0 =	simm.s32 @p1 $0x1  }
0x15: {  	[smem:$0x3FAC] =	sst s0;
	s0 =	simm.s32 @!p2 $0x0  }
0x16: {  	s3 =	sld [smem:$0x3FDB];
	s0 =	simm.s32 @p2 $0x1  }
0x17: {  	s4 =	simm.s32 $0x1BF5;
	[smem:$0x3FAE] =	sst s0  }
0x18: {  	s0 =	sld [smem:$0x3F91];
	_ =	swait.ge [sflag:s4], $0x0  }
0x19: {  	s7 =	sld [smem:$0x3F92]  }
0x1a: {  	s8 =	sadd.s32 $0xFFFFE003, lr  }
0x1b: {  	s9 =	sadd.s32 $0xFFFFFEF7, lr;
	s5 =	simm.s32 $0xFFFFFFFF;
	p2 =	slt.u32 s8, $0xFFFFF086  }
0x1c: {  	p1 =	slt.u32 s9, $0xF7A;
	s5 =	simm.s32 @!p2 $0x0  }
0x1d: {  	s5 =	simm.s32 @p1 $0x1;
	p0 =	seq.s32 s7, s2  }
0x1e: {  	s7 =	smul.u32 @!p0 $0xF7A, s2;
	p2 =	seq.s32 @!p0 s5, $0x0  }
0x1f: {  	s9 =	smul.u32 $0xF7A, s1;
	s8 =	simm.s32 @!p0 $0x1BF5;
	p2 =	por !p2, p0  }
0x20: {  	[sflag:s8] =	ssyncset.s32 @!p0 $0xFFFFF086;
	s6 =	sadd.s32 @!p0 s3, s7;
	s7 =	simm.s32 @!p0 $0x108  }
0x21: {  	s3 =	sadd.s32 s3, s9;
	s6 =	sadd.s32 @!p0 $0x88, s6;
	s7 =	simm.s32 @p2 $0x1082  }
0x22: {  	[simem:s7], [sflag:s8] =	dma.local @!p0 [hbm:s6], $0xF7A  }
0x23: {  	s9 =	sor.u32 $0xD0000000, s2;
	s6 =	simm.s32 $0x108;
	_ =	swait.ge @!p0 [sflag:s8], $0x0  }
0x24: {  	s3 =	sadd.s32 $0x88, s3;
	s6 =	simm.s32 @!p1 $0x1082;
	[sflag:s4] =	ssyncset.s32 $0xFFFFF086  }
0x25: {  	[simem:s6], [sflag:s4] =	dma.local [hbm:s3], $0xF7A  }
0x26: {  	[smem:$0x3F92] =	sst s1;
	(tag) =	ssettag s2;
	_ =	strace s9  }
0x27: {  	s1 =	sld [smem:$0x3FA2]  }
0x28: {  	s2 =	sld [smem:$0x3FA3]  }
0x29: {  	s4 =	sld [smem:$0x3FA5]  }
0x2a: {  	p0 =	seq.s32 s5, $0x0;
	s5 =	sld [smem:$0x3FA6]  }
0x2b: {  	s6 =	sld [smem:$0x3FA7]  }
0x2c: {  	s7 =	sld [smem:$0x3FA8]  }
0x2d: {  	s3 =	simm.s32 $0x108;
	s8 =	sld [smem:$0x3FA9]  }
0x2e: {  	s3 =	simm.s32 @!p0 $0x1082;
	s9 =	sld [smem:$0x3FAA]  }
0x2f: {  	lr =	sadd.s32 s0, s3;
	s0 =	sld [smem:$0x3FA1]  }
0x30: {  	s3 =	sld [smem:$0x3FA4]  }
0x31: {  	[smem:$0x3FAD] =	sst s10  }
0x32: {  	s10 =	sld [smem:$0x3FAB];
	_ =	sdelay $0x3  }
0x33: {  	p0 =	seq.s32 s10, $0x1;
	s10 =	sld [smem:$0x3FAD];
	_ =	sdelay $0x3  }
0x34: {  	[smem:$0x3FAD] =	sst s10  }
0x35: {  	s10 =	sld [smem:$0x3FAC];
	_ =	sdelay $0x3  }
0x36: {  	p1 =	seq.s32 s10, $0x1;
	s10 =	sld [smem:$0x3FAD];
	_ =	sdelay $0x3  }
0x37: {  	[smem:$0x3FAD] =	sst s10  }
0x38: {  	s10 =	sld [smem:$0x3FAE]  }
0x39: {  	_ = 	snop;
	(pc) =	sbr.ind lr, $3  }
0x3a: {  	_ = 	snop  }
0x3b: {  	_ = 	snop  }
0x3c: {  	p2 =	seq.s32 s10, $0x1;
	s10 =	sld [smem:$0x3FAD]  }
0x3d: {  	_ =	shalt  }
0x3e: {  	_ =	shalt  }
0x3f: {  	_ =	shalt  }
0x40: {  	_ =	shalt  }
0x41: {  	_ =	shalt  }
0x42: {  	_ =	shalt  }
0x43: {  	_ =	shalt  }
0x44: {  	_ =	shalt  }
0x45: {  	_ =	shalt  }
0x46: {  	_ =	shalt  }
0x47: {  	_ =	shalt  }
0x48: {  	_ =	shalt  }
0x49: {  	_ =	shalt  }
0x4a: {  	_ =	shalt  }
0x4b: {  	_ =	shalt  }
0x4c: {  	_ =	shalt  }
0x4d: {  	_ =	shalt  }
0x4e: {  	_ =	shalt  }
0x4f: {  	_ =	shalt  }
0x50: {  	_ =	shalt  }
0x51: {  	_ =	shalt  }
0x52: {  	_ =	shalt  }
0x53: {  	_ =	shalt  }
0x54: {  	_ =	shalt  }
0x55: {  	_ =	shalt  }
0x56: {  	_ =	shalt  }
0x57: {  	_ =	shalt  }
0x58: {  	_ =	shalt  }
0x59: {  	_ =	shalt  }
0x5a: {  	_ =	shalt  }
0x5b: {  	_ =	shalt  }
0x5c: {  	_ =	shalt  }
0x5d: {  	_ =	shalt  }
0x5e: {  	_ =	shalt  }
0x5f: {  	_ =	shalt  }
0x60: {  	_ =	shalt  }
0x61: {  	_ =	shalt  }
0x62: {  	_ =	shalt  }
0x63: {  	_ =	shalt  }
0x64: {  	_ =	shalt  }
0x65: {  	_ =	shalt  }
0x66: {  	_ =	shalt  }
0x67: {  	_ =	shalt  }
0x68: {  	_ =	shalt  }
0x69: {  	_ =	shalt  }
0x6a: {  	_ =	shalt  }
0x6b: {  	_ =	shalt  }
0x6c: {  	_ =	shalt  }
0x6d: {  	_ =	shalt  }
0x6e: {  	_ =	shalt  }
0x6f: {  	_ =	shalt  }
0x70: {  	_ =	shalt  }
0x71: {  	_ =	shalt  }
0x72: {  	_ =	shalt  }
0x73: {  	_ =	shalt  }
0x74: {  	_ =	shalt  }
0x75: {  	_ =	shalt  }
0x76: {  	_ =	shalt  }
0x77: {  	_ =	shalt  }
0x78: {  	_ =	shalt  }
0x79: {  	_ =	shalt  }
0x7a: {  	_ =	shalt  }
0x7b: {  	_ =	shalt  }
0x7c: {  	_ =	shalt  }
0x7d: {  	_ =	shalt  }
0x7e: {  	_ =	shalt  }
0x7f: {  	_ =	shalt  }
0x80: {  	_ =	shalt  }
0x81: {  	_ =	shalt  }
0x82: {  	_ =	shalt  }
0x83: {  	_ =	shalt  }
0x84: {  	_ =	shalt  }
0x85: {  	_ =	shalt  }
0x86: {  	_ =	shalt  }
0x87: {  	_ =	shalt  }
.Lfunc_end0:
.L_simem_size_0:
called_computation.2_lowered:
.L_overlay_start_0:
0x88: {  	s2 =	sld [smem:$0x3FD9]  }
0x89: {  	s3 =	sld [smem:$0x3FFE];
	_ =	sdelay $0x1  }
0x8a: {  	s1 =	srdreg.scid  }
0x8b: {  	s0 =	sand.u32 $0x1, s1  }
0x8c: {  	s16 =	sshll.u32 s0, $0xA;
	s2 =	sadd.s32 s3, s2  }
0x8d: {  	s2 =	sadd.s32 s2, s16  }
0x8e: {  	[smem:$0x3FB9] =	sst s2  }
0x8f: {  	_ = 	snop  }
0x90: {  	(tm) =	ssettm $0x1  }
0x91: {  	s17 =	sld [smem:$0x3FFB];
	_ =	sdelay $0x3  }
0x92: {  	_ =	strace s17  }
0x93: {  	s2 =	sld [smem:$0x3FFC];
	_ =	sdelay $0x3  }
0x94: {  	_ =	strace s2  }
0x95: {  	s2 =	sld [smem:$0x3FFD];
	_ =	sdelay $0x3  }
0x96: {  	_ =	strace s2  }
0x97: {  	_ =	strace $0x8FFFFFFF  }
0x98: {  	s18 =	sld [smem:$0x3FDB];
	_ =	sdelay $0x1  }
0x99: {  	s19 =	simm.s32 $_scs_section_size  }
0x9a: {  	s4 =	simm.s32 $_size__tile_overlayer_lowered;
	s5 =	simm.s32 $_tile_overlayer_lowered  }
0x9b: {  	s22 =	simm.s32 $0x1BFF;
	s21 =	sshll.u32 s5, $0x1;
	s2 =	sadd.s32 s19, s18  }
0x9c: {  	s6 =	simm.s32 $0x0;
	s20 =	sshll.u32 s4, $0x1;
	s4 =	sadd.s32 s21, s2  }
0x9d: {  	[timem:s6], [sflag:s22] =	dma.local [hbm:s4], s20  }
0x9e: {  	_ =	swait.ge [sflag:s22], s20  }
0x9f: {  	s3 =	ssub.s32 $0x0, s20;
	[sflag:s22] =	ssyncset.done $0x0  }
0xa0: {  	[sflag:s22] =	ssyncadd.s32 s3;
	_ =	sdelay $0x1  }
0xa1: {  	s23 =	simm.s32 $0x1B8B  }
0xa2: {  	_ =	swait.ge [sflag:s23], $0x1  }
0xa3: {  	[sflag:s23] =	ssyncset.done $0x0  }
0xa4: {  	s25 =	simm.s32 $0x1B8E;
	s24 =	sld [smem:$0x3FFE];
	[sflag:s23] =	ssyncadd.s32 $0xFFFFFFFF  }
0xa5: {  	s26 =	simm.s32 $execute0_lowered;
	[smem:$0x3FD2] =	sst s25  }
0xa6: {  	s4 =	sshll.u32 s26, $0x1;
	_ =	strace $0x8000004C;
	[dreg:$0x1] =	wrdreg $0xFFFFFFFF  }
0xa7: {  	s28 =	simm.s32 $_size_execute0_lowered;
	s2 =	sadd.s32 s2, s4;
	[dreg:$0x0] =	wrdreg $0x0  }
0xa8: {  	s4 =	sshll.u32 s28, $0x1;
	[dreg:$0x2] =	wrdreg s2  }
0xa9: {  	[dreg:$0x3] =	wrdreg s4  }
0xaa: {  	[dreg:$0x4] =	wrdreg $0xC0  }
0xab: {  	_ =	task [dreg:s6], $0x5FFFF  }
0xac: {  	[dreg:$0x1] =	wrdreg $0xFFFFFFFF  }
0xad: {  	[dreg:$0x0] =	wrdreg $0x60  }
0xae: {  	[dreg:$0x2] =	wrdreg s24  }
0xaf: {  	[dreg:$0x3] =	wrdreg $0x110F00  }
0xb0: {  	[dreg:$0x4] =	wrdreg $0x9  }
0xb1: {  	_ =	task.clear_ibuf [dreg:s6], $0x5FFFF;
	_ =	strace $0x9000004C  }
0xb2: {  	s29 =	simm.s32 $0x9;
	_ =	strace $0x8000004E  }
0xb3: {  	_ =	swait.ge [sflag:s29], $0x1  }
0xb4: {  	[sflag:s29] =	ssyncadd.s32 $0xFFFFFFFF  }
0xb5: {  	_ =	strace $0x9000004E  }
0xb6: {  	_ =	sfence  }
0xb7: {  	s30 =	sld [smem:$0x0];
	_ =	sdelay $0x2  }
0xb8: {  	s31 =	sshll.u32 s1, $0xD;
	s1 =	sshrl.u32 s1, $0x2  }
0xb9: {  	s3 =	sand.u32 $0x4000, s31;
	s1 =	sadd.s32 s1, s30  }
0xba: {  	s0 =	sor.u32 s3, s0;
	s1 =	sshll.u32 s1, $0x11  }
0xbb: {  	s0 =	sor.u32 s1, s0  }
0xbc: {  	s0 =	sadd.s32 $0x8F2B, s0  }
0xbd: {  	[sflag:s0] =	ssyncadd.remote.s32 $0x1  }
0xbe: {  	_ =	sfence.sel $0xFFFF  }
0xbf: {  	[dreg:$0x0] =	wrdreg $0xFFFFFFFF;
	(pc) =	sbr.abs _section_cstart, $3  }
0xc0: {  	[dreg:$0x1] =	wrdreg $0xFFFFFFFF  }
0xc1: {  	_ =	task.clear_ibuf [dreg:s6], $0x2FFFF;
	_ =	strace $0x9FFFFFFF  }
0xc2: {  	(tm) =	ssettm $0x7FFFFFFF  }
0xc3: {  	_ =	shalt  }
tec
execute0_lowered:
.L_overlay_start_1:
0x0: {  	(tag) =	ssettag $0x1  }
0x1: {  	s5 =	rddreg [dreg:$0x0]  }
0x2: {  	s0 =	srdreg.scid;
	s2 =	rddreg [dreg:$0x1]  }
0x3: {  	s1 =	stileid.u32;
	s3 =	simm.s32 $0x0;
	s10 =	simm.s32 $0x3  }
0x4: {  	s11 =	simm.s32 $0x2800;
	s12 =	simm.s32 $0x8800;
	s13 =	simm.s32 $0x80  }
0x5: {  	s14 =	simm.s32 $0x5000;
	s15 =	simm.s32 $0x1;
	s16 =	simm.s32 $0x6C00  }
0x6: {  	s17 =	simm.s32 $0x2;
	s18 =	simm.s32 $0x2780;
	s19 =	simm.s32 $0x4F00  }
0x7: {  	s20 =	simm.s32 $0x4F80;
	s4 =	sand.u32 $0x1, s0;
	s0 =	rddreg [dreg:$0x2]  }
0x8: {  	s21 =	simm.s32 $0x0;
	s7 =	smul.u32 $0x88F0, s1;
	[smem:$0x7FF] =	sst s3  }
0x9: {  	s6 =	sshll.u32 s4, $0x4;
	s8 =	smul.u32 $0x88F00, s4;
	_ =	strace $0x8000004D  }
0xa: {  	s9 =	ssub.s32 $0x2, s4;
	s4 =	sadd.s32 $0x17200, s5;
	s6 =	sor.u32 s1, s6  }
0xb: {  	s31 =	sshrl.u32 s9, $0x1;
	s6 =	smul.u32 $0x500, s6;
	s8 =	sadd.s32 s7, s8  }
0xc: {  	s9 =	ssub.s32 s9, s31;
	s7 =	sadd.s32 s7, s2;
	s8 =	sshrl.u32 s8, $0x3  }
0xd: {  	s9 =	smax.u32 s9, $0x1;
	s6 =	sadd.s32 s6, s5;
	s8 =	sadd.s32 s8, s5  }
0xe: {  	v0 =	vimm.f32 $0.0e+00;
	s5 =	sadd.s32 $0xD200, s6;
	s6 =	sadd.s32 $0x2800, s6;
	s8 =	sadd.s32 $0x28400, s8  }
.LBB2_1:
0xf: {  	[tilespmem:s3], [sflag:$0x3] =	stream.linear.gather [hbm4b:s5+s3], $0x2800, $0x38;
	[tilespmem:$0x199E0] =	vst v63  }
0x10: {  	_ =	swait.ge [sflag:s10], $0x2800  }
0x11: {  	[sflag:s10] =	ssyncset.done $0x0  }
0x12: {  	[sflag:s10] =	ssyncadd.s32 $0xFFFFD800  }
0x13: {  	[tilespmem:s11], [sflag:$0x3] =	stream.linear.gather [hbm4b:s6+s3], $0x2800, $0x38;
	[tilespmem:$0x199E0] =	vst v63  }
0x14: {  	_ =	swait.ge [sflag:s10], $0x2800  }
0x15: {  	[sflag:s10] =	ssyncset.done $0x0  }
0x16: {  	s22 =	simm.s32 $0x0;
	[sflag:s10] =	ssyncadd.s32 $0xFFFFD800  }
0x17: {  	s23 =	simm.s32 $0xE0;
	[tilespmem:s22+$0x8810] =	vst v0  }
.LBB2_2:
0x18: {  	p0 =	sne.s32 s23, $0x222E0;
	[tilespmem:s22+$0x8820] =	vst v0;
	s24 =	smov.u32 s23;
	s23 =	sadd.s32 $0xE0, s23  }
.Ltmp0:
0x19: {  	[tilespmem:s22+$0x8828] =	vst v0;
	(pc) =	sbr.rel @p0 .LBB2_2-.Ltmp0, $3  }
0x1a: {  	[tilespmem:s22+$0x8800] =	vst v0;
	_ =	sdelay $0x1  }
0x1b: {  	s22 =	sshra.s32 s24, $0x2  }
0x1c: {  	[tilespmem:s22+$0x8810] =	vst v0  }
0x1d: {  	[tilespmem:s22+$0x8820] =	vst v0  }
0x1e: {  	[tilespmem:s22+$0x8800] =	vst v0  }
0x1f: {  	[tilespmem:s22+$0x8828] =	vst v0  }
0x20: {  	[spmem:s7] =	stream.linear.scatter [tilespmem:s12], [sflag:$0x3], $0x88F0, $0x38;
	[tilespmem:$0x199E0] =	vst v63  }
0x21: {  	_ =	swait.ge [sflag:s10], $0x88F0  }
0x22: {  	[sflag:s10] =	ssyncset.done $0x0  }
0x23: {  	[sflag:s10] =	ssyncadd.s32 $0xFFFF7710  }
0x24: {  	s26 =	simm.s32 $0x0;
	[bflag:$0x0] =	sbarrier.arrive $0xFFFF  }
0x25: {  	[tilespmem:s14], [sflag:$0x1] =	stream.indirect.gather [hbm4b:s4+s13], $0x38, s26, s13, $0xb8;
	[tilespmem:$0x199E0] =	vst v63  }
0x26: {  	_ =	swait.ge [sflag:s15], $0x1C00  }
0x27: {  	[sflag:s15] =	ssyncset.done $0x0  }
0x28: {  	s28 =	simm.s32 $0x80;
	[sflag:s15] =	ssyncadd.s32 $0xFFFFE400  }
0x29: {  	[tilespmem:s16], [sflag:$0x2] =	stream.indirect.gather [hbm4b:s4+s13], $0x38, s28, s13, $0xb8;
	[tilespmem:$0x199E0] =	vst v63  }
0x2a: {  	s29 =	simm.s32 $0x2800  }
0x2b: {  	[spmem:s2] =	stream.indirect.scatter.add.f32 [tilespmem:s14], [sflag:$0x3], $0x38, s29, s13, $0xb8;
	[tilespmem:$0x199E0] =	vst v63  }
0x2c: {  	_ =	swait.ge [sflag:s10], $0x1C00  }
0x2d: {  	[sflag:s10] =	ssyncset.done $0x0  }
0x2e: {  	[sflag:s10] =	ssyncadd.s32 $0xFFFFE400  }
0x2f: {  	_ =	swait.ge [sflag:s17], $0x1C00  }
0x30: {  	[sflag:s17] =	ssyncset.done $0x0  }
0x31: {  	s30 =	simm.s32 $0x100;
	[sflag:s17] =	ssyncadd.s32 $0xFFFFE400  }
0x32: {  	[tilespmem:s14], [sflag:$0x1] =	stream.indirect.gather [hbm4b:s4+s13], $0x38, s30, s13, $0xb8;
	[tilespmem:$0x199E0] =	vst v63  }
0x33: {  	s31 =	simm.s32 $0x2880  }
0x34: {  	[spmem:s2] =	stream.indirect.scatter.add.f32 [tilespmem:s16], [sflag:$0x3], $0x38, s31, s13, $0xb8;
	[tilespmem:$0x199E0] =	vst v63  }
0x35: {  	_ =	swait.ge [sflag:s10], $0x1C00  }
0x36: {  	s22 =	simm.s32 $0x400;
	[sflag:s10] =	ssyncset.done $0x0  }
.LBB2_4:
0x37: {  	p0 =	sne.s32 s22, $0x9800  }
0x38: {  	[sflag:s10] =	ssyncadd.s32 $0xFFFFE400;
	s23 =	smov.u32 s22;
	s22 =	sadd.s32 $0x400, s22  }
0x39: {  	_ = 	snop  }
0x3a: {  	_ =	swait.ge [sflag:s15], $0x1C00  }
0x3b: {  	s23 =	sshra.s32 s23, $0x2;
	[sflag:s15] =	ssyncset.done $0x0  }
0x3c: {  	s24 =	sadd.s32 $0x80, s23;
	[sflag:s15] =	ssyncadd.s32 $0xFFFFE400  }
0x3d: {  	[tilespmem:s16], [sflag:$0x2] =	stream.indirect.gather [hbm4b:s4+s13], $0x38, s24, s13, $0xb8;
	[tilespmem:$0x199E0] =	vst v63  }
0x3e: {  	s24 =	sadd.s32 $0x2800, s23  }
0x3f: {  	[spmem:s2] =	stream.indirect.scatter.add.f32 [tilespmem:s14], [sflag:$0x3], $0x38, s24, s13, $0xb8;
	[tilespmem:$0x199E0] =	vst v63  }
0x40: {  	_ =	swait.ge [sflag:s10], $0x1C00  }
0x41: {  	[sflag:s10] =	ssyncset.done $0x0  }
0x42: {  	[sflag:s10] =	ssyncadd.s32 $0xFFFFE400  }
0x43: {  	_ =	swait.ge [sflag:s17], $0x1C00  }
0x44: {  	[sflag:s17] =	ssyncset.done $0x0  }
0x45: {  	s24 =	sadd.s32 $0x100, s23;
	[sflag:s17] =	ssyncadd.s32 $0xFFFFE400  }
0x46: {  	[tilespmem:s14], [sflag:$0x1] =	stream.indirect.gather [hbm4b:s4+s13], $0x38, s24, s13, $0xb8;
	[tilespmem:$0x199E0] =	vst v63  }
.Ltmp1:
0x47: {  	_ = 	snop;
	(pc) =	sbr.rel @p0 .LBB2_4-.Ltmp1, $4  }
0x48: {  	s23 =	sadd.s32 $0x2880, s23  }
0x49: {  	[spmem:s2] =	stream.indirect.scatter.add.f32 [tilespmem:s16], [sflag:$0x3], $0x38, s23, s13, $0xb8;
	[tilespmem:$0x199E0] =	vst v63  }
0x4a: {  	_ =	swait.ge [sflag:s10], $0x1C00  }
0x4b: {  	[sflag:s10] =	ssyncset.done $0x0  }
0x4c: {  	[sflag:s10] =	ssyncadd.s32 $0xFFFFE400  }
0x4d: {  	_ =	swait.ge [sflag:s15], $0x1C00  }
0x4e: {  	[sflag:s15] =	ssyncset.done $0x0  }
0x4f: {  	[sflag:s15] =	ssyncadd.s32 $0xFFFFE400  }
0x50: {  	[tilespmem:s16], [sflag:$0x2] =	stream.indirect.gather [hbm4b:s4+s13], $0x38, s18, s13, $0xb8;
	[tilespmem:$0x199E0] =	vst v63  }
0x51: {  	_ = 	snop  }
0x52: {  	[spmem:s2] =	stream.indirect.scatter.add.f32 [tilespmem:s14], [sflag:$0x3], $0x38, s19, s13, $0xb8;
	[tilespmem:$0x199E0] =	vst v63  }
0x53: {  	_ =	swait.ge [sflag:s10], $0x1C00  }
0x54: {  	[sflag:s10] =	ssyncset.done $0x0  }
0x55: {  	[sflag:s10] =	ssyncadd.s32 $0xFFFFE400  }
0x56: {  	_ =	swait.ge [sflag:s17], $0x1C00  }
0x57: {  	[sflag:s17] =	ssyncset.done $0x0  }
0x58: {  	[sflag:s17] =	ssyncadd.s32 $0xFFFFE400  }
0x59: {  	[spmem:s2] =	stream.indirect.scatter.add.f32 [tilespmem:s16], [sflag:$0x3], $0x38, s20, s13, $0xb8;
	[tilespmem:$0x199E0] =	vst v63  }
0x5a: {  	_ =	swait.ge [sflag:s10], $0x1C00  }
0x5b: {  	[sflag:s10] =	ssyncset.done $0x0  }
0x5c: {  	[sflag:s10] =	ssyncadd.s32 $0xFFFFE400  }
0x5d: {  	[bflag:$0x0] =	sbarrier.arrive $0xFFFF  }
0x5e: {  	[tilespmem:s12], [sflag:$0x3] =	stream.linear.gather [spmem:s7], $0x88F0, $0x38;
	[tilespmem:$0x199E0] =	vst v63  }
0x5f: {  	s21 =	sadd.s32 $0x1, s21;
	_ =	swait.ge [sflag:s10], $0x88F0  }
0x60: {  	p0 =	sne.s32 s21, s9;
	[sflag:s10] =	ssyncset.done $0x0  }
.Ltmp2:
0x61: {  	[sflag:s10] =	ssyncadd.s32 $0xFFFF7710;
	(pc) =	sbr.rel @p0 .LBB2_1-.Ltmp2, $4  }
0x62: {  	[hbm4b:s8+s3] =	stream.linear.scatter [tilespmem:s12], [sflag:$0x3], $0x88F0, $0x38;
	[tilespmem:$0x199E0] =	vst v63  }
0x63: {  	_ =	swait.ge [sflag:s10], $0x88F0  }
0x64: {  	[sflag:s10] =	ssyncset.done $0x0  }
0x65: {  	[sflag:s10] =	ssyncadd.s32 $0xFFFF7710  }
0x66: {  	_ =	sfence.sel $0x180000  }
0x67: {  	[bflag:$0x0] =	sbarrier.arrive $0xFFFF  }
0x68: {  	p0 =	sne.s32 s1, $0x0;
	_ =	strace $0x9000004D  }
0x69: {  	s0 =	sadd.s32 @!p0 $0x100000, s0;
	[bflag:$0x2] =	sbarrier.arrive $0xFFFF  }
0x6a: {  	[sflag:s0] =	ssyncadd.tile.s32 @!p0 $0x1;
	_ =	shalt  }
.Lfunc_end2:
_tile_overlayer_lowered:
.L_overlay_start_2:
0x6b: {  	(tag) =	ssettag $0x2  }
0x6c: {  	s0 =	rddreg [dreg:$0x0];
	s2 =	stileid.u32  }
0x6d: {  	s1 =	rddreg [dreg:$0x1];
	p0 =	sne.s32 s2, $0x0  }
0x6e: {  	s3 =	rddreg [dreg:$0x2];
	[bflag:$0x3] =	sbarrier.arrive $0xFFFF;
	s2 =	simm.s32 @!p0 $0x1C03  }
0x6f: {  	[timem:s3], [sflag:s2] =	dma.local @!p0 [hbm:s0], s1  }
0x70: {  	s0 =	simm.s32 @!p0 $0x3  }
0x71: {  	_ =	swait.ge @!p0 [sflag:s0], s1  }
0x72: {  	s1 =	ssub.s32 @!p0 $0x0, s1;
	[sflag:s0] =	ssyncset.done @!p0 $0x0  }
0x73: {  	[sflag:s0] =	ssyncadd.s32 @!p0 s1  }
0x74: {  	[bflag:$0x3] =	sbarrier.arrive $0xFFFF  }
0x75: {  	_ =	shalt  }

// kernel: kernel.8.cloned.1.call-start
scs
__scs_entry_jumppad:
0x0: {  	(pc) =	sbr.rel $0x88, $3  }
0x1: {  	(tag) =	ssettag $0x0;
	lr =	simm.s32 $0x1  }
0x2: {  	[smem:$0x3F92] =	sst lr;
	_ =	strace $0xD0000000  }
0x3: {  	_ = 	snop  }
0x4: {  	_ = 	snop  }
0x5: {  	_ = 	snop  }
0x6: {  	_ = 	snop  }
0x7: {  	_ = 	snop  }
__scs_overlays_trampoline_lowered:
0x8: {  	[smem:$0x3FA1] =	sst s0  }
0x9: {  	[smem:$0x3FA2] =	sst s1  }
0xa: {  	[smem:$0x3FA3] =	sst s2  }
0xb: {  	[smem:$0x3FA4] =	sst s3  }
0xc: {  	[smem:$0x3FA5] =	sst s4  }
0xd: {  	[smem:$0x3FA6] =	sst s5  }
0xe: {  	[smem:$0x3FA7] =	sst s6  }
0xf: {  	[smem:$0x3FA8] =	sst s7  }
0x10: {  	[smem:$0x3FA9] =	sst s8  }
0x11: {  	[smem:$0x3FAA] =	sst s9;
	s0 =	simm.s32 @!p0 $0x0  }
0x12: {  	s1 =	sld [smem:$0x3F90];
	s0 =	simm.s32 @p0 $0x1  }
0x13: {  	[smem:$0x3FAB] =	sst s0;
	s0 =	simm.s32 @!p1 $0x0  }
0x14: {  	s2 =	sld [smem:$0x3F8F];
	s0 =	simm.s32 @p1 $0x1  }
0x15: {  	[smem:$0x3FAC] =	sst s0;
	s0 =	simm.s32 @!p2 $0x0  }
0x16: {  	s3 =	sld [smem:$0x3FDB];
	s0 =	simm.s32 @p2 $0x1  }
0x17: {  	s4 =	simm.s32 $0x1BF5;
	[smem:$0x3FAE] =	sst s0  }
0x18: {  	s0 =	sld [smem:$0x3F91];
	_ =	swait.ge [sflag:s4], $0x0  }
0x19: {  	s7 =	sld [smem:$0x3F92]  }
0x1a: {  	s8 =	sadd.s32 $0xFFFFE003, lr  }
0x1b: {  	s9 =	sadd.s32 $0xFFFFFEF7, lr;
	s5 =	simm.s32 $0xFFFFFFFF;
	p2 =	slt.u32 s8, $0xFFFFF086  }
0x1c: {  	p1 =	slt.u32 s9, $0xF7A;
	s5 =	simm.s32 @!p2 $0x0  }
0x1d: {  	s5 =	simm.s32 @p1 $0x1;
	p0 =	seq.s32 s7, s2  }
0x1e: {  	s7 =	smul.u32 @!p0 $0xF7A, s2;
	p2 =	seq.s32 @!p0 s5, $0x0  }
0x1f: {  	s9 =	smul.u32 $0xF7A, s1;
	s8 =	simm.s32 @!p0 $0x1BF5;
	p2 =	por !p2, p0  }
0x20: {  	[sflag:s8] =	ssyncset.s32 @!p0 $0xFFFFF086;
	s6 =	sadd.s32 @!p0 s3, s7;
	s7 =	simm.s32 @!p0 $0x108  }
0x21: {  	s3 =	sadd.s32 s3, s9;
	s6 =	sadd.s32 @!p0 $0x88, s6;
	s7 =	simm.s32 @p2 $0x1082  }
0x22: {  	[simem:s7], [sflag:s8] =	dma.local @!p0 [hbm:s6], $0xF7A  }
0x23: {  	s9 =	sor.u32 $0xD0000000, s2;
	s6 =	simm.s32 $0x108;
	_ =	swait.ge @!p0 [sflag:s8], $0x0  }
0x24: {  	s3 =	sadd.s32 $0x88, s3;
	s6 =	simm.s32 @!p1 $0x1082;
	[sflag:s4] =	ssyncset.s32 $0xFFFFF086  }
0x25: {  	[simem:s6], [sflag:s4] =	dma.local [hbm:s3], $0xF7A  }
0x26: {  	[smem:$0x3F92] =	sst s1;
	(tag) =	ssettag s2;
	_ =	strace s9  }
0x27: {  	s1 =	sld [smem:$0x3FA2]  }
0x28: {  	s2 =	sld [smem:$0x3FA3]  }
0x29: {  	s4 =	sld [smem:$0x3FA5]  }
0x2a: {  	p0 =	seq.s32 s5, $0x0;
	s5 =	sld [smem:$0x3FA6]  }
0x2b: {  	s6 =	sld [smem:$0x3FA7]  }
0x2c: {  	s7 =	sld [smem:$0x3FA8]  }
0x2d: {  	s3 =	simm.s32 $0x108;
	s8 =	sld [smem:$0x3FA9]  }
0x2e: {  	s3 =	simm.s32 @!p0 $0x1082;
	s9 =	sld [smem:$0x3FAA]  }
0x2f: {  	lr =	sadd.s32 s0, s3;
	s0 =	sld [smem:$0x3FA1]  }
0x30: {  	s3 =	sld [smem:$0x3FA4]  }
0x31: {  	[smem:$0x3FAD] =	sst s10  }
0x32: {  	s10 =	sld [smem:$0x3FAB];
	_ =	sdelay $0x3  }
0x33: {  	p0 =	seq.s32 s10, $0x1;
	s10 =	sld [smem:$0x3FAD];
	_ =	sdelay $0x3  }
0x34: {  	[smem:$0x3FAD] =	sst s10  }
0x35: {  	s10 =	sld [smem:$0x3FAC];
	_ =	sdelay $0x3  }
0x36: {  	p1 =	seq.s32 s10, $0x1;
	s10 =	sld [smem:$0x3FAD];
	_ =	sdelay $0x3  }
0x37: {  	[smem:$0x3FAD] =	sst s10  }
0x38: {  	s10 =	sld [smem:$0x3FAE]  }
0x39: {  	_ = 	snop;
	(pc) =	sbr.ind lr, $3  }
0x3a: {  	_ = 	snop  }
0x3b: {  	_ = 	snop  }
0x3c: {  	p2 =	seq.s32 s10, $0x1;
	s10 =	sld [smem:$0x3FAD]  }
0x3d: {  	_ =	shalt  }
0x3e: {  	_ =	shalt  }
0x3f: {  	_ =	shalt  }
0x40: {  	_ =	shalt  }
0x41: {  	_ =	shalt  }
0x42: {  	_ =	shalt  }
0x43: {  	_ =	shalt  }
0x44: {  	_ =	shalt  }
0x45: {  	_ =	shalt  }
0x46: {  	_ =	shalt  }
0x47: {  	_ =	shalt  }
0x48: {  	_ =	shalt  }
0x49: {  	_ =	shalt  }
0x4a: {  	_ =	shalt  }
0x4b: {  	_ =	shalt  }
0x4c: {  	_ =	shalt  }
0x4d: {  	_ =	shalt  }
0x4e: {  	_ =	shalt  }
0x4f: {  	_ =	shalt  }
0x50: {  	_ =	shalt  }
0x51: {  	_ =	shalt  }
0x52: {  	_ =	shalt  }
0x53: {  	_ =	shalt  }
0x54: {  	_ =	shalt  }
0x55: {  	_ =	shalt  }
0x56: {  	_ =	shalt  }
0x57: {  	_ =	shalt  }
0x58: {  	_ =	shalt  }
0x59: {  	_ =	shalt  }
0x5a: {  	_ =	shalt  }
0x5b: {  	_ =	shalt  }
0x5c: {  	_ =	shalt  }
0x5d: {  	_ =	shalt  }
0x5e: {  	_ =	shalt  }
0x5f: {  	_ =	shalt  }
0x60: {  	_ =	shalt  }
0x61: {  	_ =	shalt  }
0x62: {  	_ =	shalt  }
0x63: {  	_ =	shalt  }
0x64: {  	_ =	shalt  }
0x65: {  	_ =	shalt  }
0x66: {  	_ =	shalt  }
0x67: {  	_ =	shalt  }
0x68: {  	_ =	shalt  }
0x69: {  	_ =	shalt  }
0x6a: {  	_ =	shalt  }
0x6b: {  	_ =	shalt  }
0x6c: {  	_ =	shalt  }
0x6d: {  	_ =	shalt  }
0x6e: {  	_ =	shalt  }
0x6f: {  	_ =	shalt  }
0x70: {  	_ =	shalt  }
0x71: {  	_ =	shalt  }
0x72: {  	_ =	shalt  }
0x73: {  	_ =	shalt  }
0x74: {  	_ =	shalt  }
0x75: {  	_ =	shalt  }
0x76: {  	_ =	shalt  }
0x77: {  	_ =	shalt  }
0x78: {  	_ =	shalt  }
0x79: {  	_ =	shalt  }
0x7a: {  	_ =	shalt  }
0x7b: {  	_ =	shalt  }
0x7c: {  	_ =	shalt  }
0x7d: {  	_ =	shalt  }
0x7e: {  	_ =	shalt  }
0x7f: {  	_ =	shalt  }
0x80: {  	_ =	shalt  }
0x81: {  	_ =	shalt  }
0x82: {  	_ =	shalt  }
0x83: {  	_ =	shalt  }
0x84: {  	_ =	shalt  }
0x85: {  	_ =	shalt  }
0x86: {  	_ =	shalt  }
0x87: {  	_ =	shalt  }
.Lfunc_end0:
.L_simem_size_0:
called_computation_lowered:
.L_overlay_start_0:
0x88: {  	s2 =	sld [smem:$0x3FD9]  }
0x89: {  	s3 =	sld [smem:$0x3FFE];
	_ =	sdelay $0x1  }
0x8a: {  	s1 =	srdreg.scid  }
0x8b: {  	s0 =	sand.u32 $0x1, s1  }
0x8c: {  	s17 =	sshll.u32 s0, $0xA;
	s2 =	sadd.s32 s3, s2  }
0x8d: {  	s2 =	sadd.s32 s2, s17  }
0x8e: {  	[smem:$0x3FB9] =	sst s2  }
0x8f: {  	_ = 	snop  }
0x90: {  	s2 =	sld [smem:$0x3FD0];
	(tm) =	ssettm $0x1  }
0x91: {  	s18 =	sld [smem:$0x3FFB];
	_ =	sdelay $0x3  }
0x92: {  	_ =	strace s18  }
0x93: {  	s3 =	sld [smem:$0x3FFC];
	_ =	sdelay $0x3  }
0x94: {  	_ =	strace s3  }
0x95: {  	s3 =	sld [smem:$0x3FFD];
	_ =	sdelay $0x3  }
0x96: {  	_ =	strace s3  }
0x97: {  	_ =	strace $0x8FFFFFFF  }
0x98: {  	s19 =	sld [smem:$0x3FDB];
	_ =	sdelay $0x1  }
0x99: {  	s4 =	simm.s32 $_scs_section_size  }
0x9a: {  	s5 =	simm.s32 $_size__tile_overlayer_lowered;
	s6 =	simm.s32 $_tile_overlayer_lowered  }
0x9b: {  	s22 =	simm.s32 $0x1BFF;
	s21 =	sshll.u32 s6, $0x1;
	s3 =	sadd.s32 s4, s19  }
0x9c: {  	s7 =	simm.s32 $0x0;
	s20 =	sshll.u32 s5, $0x1;
	s5 =	sadd.s32 s21, s3  }
0x9d: {  	[timem:s7], [sflag:s22] =	dma.local [hbm:s5], s20  }
0x9e: {  	_ =	swait.ge [sflag:s22], s20  }
0x9f: {  	s4 =	ssub.s32 $0x0, s20;
	[sflag:s22] =	ssyncset.done $0x0  }
0xa0: {  	[sflag:s22] =	ssyncadd.s32 s4;
	_ =	sdelay $0x1  }
0xa1: {  	s23 =	simm.s32 $0x1B8B  }
0xa2: {  	_ =	swait.ge [sflag:s23], $0x1  }
0xa3: {  	[sflag:s23] =	ssyncset.done $0x0  }
0xa4: {  	s25 =	simm.s32 $0x1B8E;
	s24 =	sld [smem:$0x3FFE];
	[sflag:s23] =	ssyncadd.s32 $0xFFFFFFFF  }
0xa5: {  	s26 =	simm.s32 $execute0_lowered;
	[smem:$0x3FD2] =	sst s25  }
0xa6: {  	s5 =	sshll.u32 s26, $0x1;
	_ =	strace $0x80000046;
	[dreg:$0x1] =	wrdreg $0xFFFFFFFF  }
0xa7: {  	s28 =	simm.s32 $_size_execute0_lowered;
	s3 =	sadd.s32 s3, s5;
	[dreg:$0x0] =	wrdreg $0x0  }
0xa8: {  	s5 =	sshll.u32 s28, $0x1;
	[dreg:$0x2] =	wrdreg s3  }
0xa9: {  	[dreg:$0x3] =	wrdreg s5  }
0xaa: {  	[dreg:$0x4] =	wrdreg $0xC0  }
0xab: {  	_ =	task [dreg:s7], $0x5FFFF  }
0xac: {  	[dreg:$0x1] =	wrdreg $0xFFFFFFFF  }
0xad: {  	[dreg:$0x0] =	wrdreg $0x60  }
0xae: {  	[dreg:$0x2] =	wrdreg s24  }
0xaf: {  	[dreg:$0x3] =	wrdreg s2  }
0xb0: {  	[dreg:$0x4] =	wrdreg $0x2B000  }
0xb1: {  	[dreg:$0x5] =	wrdreg $0x9  }
0xb2: {  	_ =	task.clear_ibuf [dreg:s7], $0x6FFFF;
	_ =	strace $0x90000046  }
0xb3: {  	s29 =	simm.s32 $0x9;
	_ =	strace $0x80000048  }
0xb4: {  	_ =	swait.ge [sflag:s29], $0x1  }
0xb5: {  	[sflag:s29] =	ssyncadd.s32 $0xFFFFFFFF  }
0xb6: {  	_ =	strace $0x90000048  }
0xb7: {  	_ =	sfence  }
0xb8: {  	s30 =	sld [smem:$0x0];
	_ =	sdelay $0x2  }
0xb9: {  	s31 =	sshll.u32 s1, $0xD;
	s1 =	sshrl.u32 s1, $0x2  }
0xba: {  	s3 =	sand.u32 $0x4000, s31;
	s1 =	sadd.s32 s1, s30  }
0xbb: {  	s0 =	sor.u32 s3, s0;
	s1 =	sshll.u32 s1, $0x11  }
0xbc: {  	s0 =	sor.u32 s1, s0  }
0xbd: {  	s0 =	sadd.s32 $0x8F2B, s0  }
0xbe: {  	[sflag:s0] =	ssyncadd.remote.s32 $0x1  }
0xbf: {  	_ =	sfence.sel $0xFFFF  }
0xc0: {  	[dreg:$0x0] =	wrdreg $0xFFFFFFFF;
	(pc) =	sbr.abs _section_cstart, $3  }
0xc1: {  	[dreg:$0x1] =	wrdreg $0xFFFFFFFF  }
0xc2: {  	_ =	task.clear_ibuf [dreg:s7], $0x2FFFF;
	_ =	strace $0x9FFFFFFF  }
0xc3: {  	(tm) =	ssettm $0x7FFFFFFF  }
tec
execute0_lowered:
.L_overlay_start_1:
0x0: {  	(tag) =	ssettag $0x1  }
0x1: {  	s5 =	rddreg [dreg:$0x0]  }
0x2: {  	s2 =	rddreg [dreg:$0x1]  }
0x3: {  	s3 =	rddreg [dreg:$0x2];
	s4 =	srdreg.scid  }
0x4: {  	s1 =	stileid.u32;
	s0 =	rddreg [dreg:$0x3];
	s11 =	simm.s32 $0x2880  }
0x5: {  	s12 =	simm.s32 $0x80;
	s6 =	sand.u32 $0x1, s4;
	s7 =	smul.u32 $0x280, s1  }
0x6: {  	s4 =	simm.s32 $0x0;
	s8 =	sshll.u32 s6, $0x4;
	s9 =	smul.u32 $0x2800, s6  }
0x7: {  	s13 =	simm.s32 $0x0;
	[smem:$0x7FF] =	sst s4;
	s8 =	sor.u32 s1, s8  }
0x8: {  	s6 =	ssub.s32 $0x2, s6;
	s8 =	smul.u32 $0x500, s8;
	s9 =	sadd.s32 s7, s9  }
0x9: {  	_ =	strace $0x80000047;
	s10 =	sshrl.u32 s6, $0x1;
	s9 =	sshrl.u32 s9, $0x3  }
0xa: {  	s10 =	ssub.s32 s6, s10;
	s8 =	sadd.s32 s8, s5;
	s9 =	sadd.s32 s9, s5  }
0xb: {  	s6 =	sadd.s32 s7, s3;
	s5 =	sadd.s32 $0x2800, s8;
	s7 =	sadd.s32 $0xC800, s9  }
0xc: {  	v0 =	vimm.f32 $0.0e+00;
	s8 =	smax.u32 s10, $0x1;
	s9 =	simm.s32 $0x1;
	s10 =	simm.s32 $0x2800  }
.LBB2_1:
0xd: {  	[tilespmem:s4], [sflag:$0x1] =	stream.linear.gather [hbm4b:s5+s4], $0x2800, $0x38;
	[tilespmem:$0x2D80] =	vst v63  }
0xe: {  	_ =	swait.ge [sflag:s9], $0x2800  }
0xf: {  	[sflag:s9] =	ssyncset.done $0x0  }
0x10: {  	[sflag:s9] =	ssyncadd.s32 $0xFFFFD800  }
0x11: {  	[tilespmem:s10], [sflag:$0x1] =	stream.linear.gather [hbm4b:s2+s4], $0x80, $0x38;
	[tilespmem:$0x2D80] =	vst v63  }
0x12: {  	_ =	swait.ge [sflag:s9], $0x80  }
0x13: {  	[sflag:s9] =	ssyncset.done $0x0  }
0x14: {  	[sflag:s9] =	ssyncadd.s32 $0xFFFFFF80  }
0x15: {  	[tilespmem:$0x2880] =	vst v0  }
0x16: {  	[tilespmem:$0x2890] =	vst v0  }
0x17: {  	[tilespmem:$0x28A0] =	vst v0  }
0x18: {  	[tilespmem:$0x28B0] =	vst v0  }
0x19: {  	[tilespmem:$0x28C0] =	vst v0  }
0x1a: {  	[tilespmem:$0x28D0] =	vst v0  }
0x1b: {  	[tilespmem:$0x28E0] =	vst v0  }
0x1c: {  	[tilespmem:$0x28F0] =	vst v0  }
0x1d: {  	[tilespmem:$0x2900] =	vst v0  }
0x1e: {  	[tilespmem:$0x2910] =	vst v0  }
0x1f: {  	[tilespmem:$0x2920] =	vst v0  }
0x20: {  	[tilespmem:$0x2930] =	vst v0  }
0x21: {  	[tilespmem:$0x2940] =	vst v0  }
0x22: {  	[tilespmem:$0x2950] =	vst v0  }
0x23: {  	[tilespmem:$0x2960] =	vst v0  }
0x24: {  	[tilespmem:$0x2970] =	vst v0  }
0x25: {  	[tilespmem:$0x2980] =	vst v0  }
0x26: {  	[tilespmem:$0x2990] =	vst v0  }
0x27: {  	[tilespmem:$0x29A0] =	vst v0  }
0x28: {  	[tilespmem:$0x29B0] =	vst v0  }
0x29: {  	[tilespmem:$0x29C0] =	vst v0  }
0x2a: {  	[tilespmem:$0x29D0] =	vst v0  }
0x2b: {  	[tilespmem:$0x29E0] =	vst v0  }
0x2c: {  	[tilespmem:$0x29F0] =	vst v0  }
0x2d: {  	[tilespmem:$0x2A00] =	vst v0  }
0x2e: {  	[tilespmem:$0x2A10] =	vst v0  }
0x2f: {  	[tilespmem:$0x2A20] =	vst v0  }
0x30: {  	[tilespmem:$0x2A30] =	vst v0  }
0x31: {  	[tilespmem:$0x2A40] =	vst v0  }
0x32: {  	[tilespmem:$0x2A50] =	vst v0  }
0x33: {  	[tilespmem:$0x2A60] =	vst v0  }
0x34: {  	[tilespmem:$0x2A70] =	vst v0  }
0x35: {  	[tilespmem:$0x2A80] =	vst v0  }
0x36: {  	[tilespmem:$0x2A90] =	vst v0  }
0x37: {  	[tilespmem:$0x2AA0] =	vst v0  }
0x38: {  	[tilespmem:$0x2AB0] =	vst v0  }
0x39: {  	[tilespmem:$0x2AC0] =	vst v0  }
0x3a: {  	[tilespmem:$0x2AD0] =	vst v0  }
0x3b: {  	[tilespmem:$0x2AE0] =	vst v0  }
0x3c: {  	[tilespmem:$0x2AF0] =	vst v0  }
0x3d: {  	[spmem:s6] =	stream.linear.scatter [tilespmem:s11], [sflag:$0x1], $0x280, $0x38;
	[tilespmem:$0x2D80] =	vst v63  }
0x3e: {  	_ =	swait.ge [sflag:s9], $0x280  }
0x3f: {  	[sflag:s9] =	ssyncset.done $0x0  }
0x40: {  	[sflag:s9] =	ssyncadd.s32 $0xFFFFFD80  }
0x41: {  	s14 =	simm.s32 $0x0;
	[bflag:$0x0] =	sbarrier.arrive $0xFFFF  }
0x42: {  	[spmem:s3] =	stream.indirect.scatter.add.f32 [tilespmem:s10], [sflag:$0x1], $0x1, s14, s12, $0xb8;
	[tilespmem:$0x2D80] =	vst v63  }
0x43: {  	_ =	swait.ge [sflag:s9], $0x80  }
0x44: {  	s14 =	simm.s32 $0x200;
	[sflag:s9] =	ssyncset.done $0x0  }
.LBB2_2:
0x45: {  	s15 =	sshra.s32 s14, $0x2;
	[sflag:s9] =	ssyncadd.s32 $0xFFFFFF80;
	p0 =	sne.s32 s14, $0x9E00  }
0x46: {  	[spmem:s3] =	stream.indirect.scatter.add.f32 [tilespmem:s10], [sflag:$0x1], $0x1, s15, s12, $0xb8;
	[tilespmem:$0x2D80] =	vst v63  }
.Ltmp0:
0x47: {  	_ = 	snop;
	(pc) =	sbr.rel @p0 .LBB2_2-.Ltmp0, $4  }
0x48: {  	_ = 	snop  }
0x49: {  	s14 =	sadd.s32 $0x200, s14  }
0x4a: {  	_ =	swait.ge [sflag:s9], $0x80  }
0x4b: {  	[sflag:s9] =	ssyncset.done $0x0  }
0x4c: {  	[sflag:s9] =	ssyncadd.s32 $0xFFFFFF80  }
0x4d: {  	[bflag:$0x0] =	sbarrier.arrive $0xFFFF  }
0x4e: {  	[tilespmem:s11], [sflag:$0x1] =	stream.linear.gather [spmem:s6], $0x280, $0x38;
	[tilespmem:$0x2D80] =	vst v63  }
0x4f: {  	s13 =	sadd.s32 $0x1, s13;
	_ =	swait.ge [sflag:s9], $0x280  }
0x50: {  	p0 =	sne.s32 s13, s8;
	[sflag:s9] =	ssyncset.done $0x0  }
.Ltmp1:
0x51: {  	[sflag:s9] =	ssyncadd.s32 $0xFFFFFD80;
	(pc) =	sbr.rel @p0 .LBB2_1-.Ltmp1, $4  }
0x52: {  	[hbm4b:s7+s4] =	stream.linear.scatter [tilespmem:s11], [sflag:$0x1], $0x280, $0x38;
	[tilespmem:$0x2D80] =	vst v63  }
0x53: {  	_ =	swait.ge [sflag:s9], $0x280  }
0x54: {  	[sflag:s9] =	ssyncset.done $0x0  }
0x55: {  	[sflag:s9] =	ssyncadd.s32 $0xFFFFFD80  }
0x56: {  	_ =	sfence.sel $0x180000  }
0x57: {  	[bflag:$0x0] =	sbarrier.arrive $0xFFFF  }
0x58: {  	p0 =	sne.s32 s1, $0x0;
	_ =	strace $0x90000047  }
0x59: {  	s0 =	sadd.s32 @!p0 $0x100000, s0;
	[bflag:$0x2] =	sbarrier.arrive $0xFFFF  }
0x5a: {  	[sflag:s0] =	ssyncadd.tile.s32 @!p0 $0x1;
	_ =	shalt  }
.Lfunc_end2:
_tile_overlayer_lowered:
.L_overlay_start_2:
0x5b: {  	(tag) =	ssettag $0x2  }
0x5c: {  	s0 =	rddreg [dreg:$0x0];
	s2 =	stileid.u32  }
0x5d: {  	s1 =	rddreg [dreg:$0x1];
	p0 =	sne.s32 s2, $0x0  }
0x5e: {  	s3 =	rddreg [dreg:$0x2];
	[bflag:$0x3] =	sbarrier.arrive $0xFFFF;
	s2 =	simm.s32 @!p0 $0x1C01  }
0x5f: {  	[timem:s3], [sflag:s2] =	dma.local @!p0 [hbm:s0], s1  }
0x60: {  	s0 =	simm.s32 @!p0 $0x1  }
0x61: {  	_ =	swait.ge @!p0 [sflag:s0], s1  }
0x62: {  	s1 =	ssub.s32 @!p0 $0x0, s1;
	[sflag:s0] =	ssyncset.done @!p0 $0x0  }
0x63: {  	[sflag:s0] =	ssyncadd.s32 @!p0 s1  }
0x64: {  	[bflag:$0x3] =	sbarrier.arrive $0xFFFF  }
0x65: {  	_ =	shalt  }

</sc_bundles>
